<compile_context>
chip_gen: v7x
topology: tpu7x:2x2x1
jax: 0.10.2.dev20260603
libtpu: 0.0.44.dev20260713+nightly
codegen_flags: <defaults>
</compile_context>

<pallas_src>
import functools

import jax
import jax.numpy as jnp
from jax import lax
from jax.experimental import pallas as pl
from jax.experimental.pallas import tpu as pltpu
from jax.experimental.pallas import tpu_sc as plsc

BN_EPS = 1e-5
NC = 2
NS = 16
NW = NC * NS
CHUNK = 128



def _proj_body(x_ref, w_ref, o_ref):
    o_ref[...] = jnp.dot(x_ref[...], w_ref[...],
                         preferred_element_type=jnp.float32)


def _layer0_body(c0_ref, p_ref, pa_ref, bb0_ref, w20_ref, u0_ref,
                 w11_ref, o_ref):
    h = bb0_ref.shape[-1]
    z = (c0_ref[...] * p_ref[...] + pa_ref[:, :h] + pa_ref[:, h:2 * h]
         + bb0_ref[...])
    a = jnp.maximum(z, 0.0)
    h = jnp.maximum(
        jnp.dot(a, w20_ref[...], preferred_element_type=jnp.float32)
        + u0_ref[...], 0.0)
    o_ref[...] = jnp.dot(h, w11_ref[...], preferred_element_type=jnp.float32)


def _layer1_body(n_ref, c1_ref, p_ref, pa_ref, bb1_ref, w21_ref,
                 v1_ref, o_ref, acc_ref):
    i = pl.program_id(0)

    @pl.when(i == 0)
    def _():
        acc_ref[...] = jnp.zeros_like(acc_ref)

    h = bb1_ref.shape[-1]
    z = (c1_ref[...] * p_ref[...] + pa_ref[:, :h] + pa_ref[:, h:2 * h]
         + bb1_ref[...])
    q = jnp.maximum(z, 0.0)
    acc_ref[...] += jnp.sum(q, axis=0, keepdims=True)

    @pl.when(i == pl.num_programs(0) - 1)
    def _():
        mean = acc_ref[...] * n_ref[...]
        o_ref[...] = jnp.dot(mean, w21_ref[...],
                             preferred_element_type=jnp.float32) + v1_ref[...]



def _make_agg(n_pad, n_rows, feat, k_chunks):
    nbuf = 2
    rows_per_tile = n_pad // NS
    rows_stage = n_rows // NS
    zrows = max(d for d in range(1, 129)
                if rows_per_tile % d == 0 and d * feat <= 4800)
    assert k_chunks % nbuf == 0 and n_rows % NS == 0
    mesh = plsc.VectorSubcoreMesh(core_axis_name="c", subcore_axis_name="s")

    @functools.partial(
        pl.kernel,
        out_type=jax.ShapeDtypeStruct((n_pad, 128), jnp.float32),
        mesh=mesh,
        scratch_types=[
            pltpu.VMEM((k_chunks, CHUNK), jnp.int32),
            pltpu.VMEM((k_chunks, CHUNK), jnp.int32),
            pltpu.VMEM((nbuf, CHUNK, feat), jnp.float32),
            pltpu.VMEM((zrows, feat), jnp.float32),
            pltpu.VMEM_SHARED((n_pad, feat), jnp.float32),
            pltpu.VMEM_SHARED((n_rows, feat), jnp.float32),
        ] + [pltpu.SemaphoreType.DMA] * (2 * nbuf),
        compiler_params=pltpu.CompilerParams(use_tc_tiling_on_sc=False),
    )
    def agg(p_hbm, src_hbm, dst_hbm, out_hbm, src_v, dst_v, rows_v, zb, acc,
            p_s, *sems):
        cid = lax.axis_index("c")
        sid = lax.axis_index("s")
        wid = cid * NS + sid
        base = sid * rows_per_tile

        def _zrow(r, carry):
            for c in range(feat // 16):
                zb[r, pl.ds(c * 16, 16)] = jnp.zeros((16,), jnp.float32)
            return carry
        lax.fori_loop(0, zrows, _zrow, 0)

        def _zcopy(t, carry):
            pltpu.sync_copy(zb, acc.at[pl.ds(base + t * zrows, zrows)])
            return carry
        lax.fori_loop(0, rows_per_tile // zrows, _zcopy, 0)

        pltpu.sync_copy(src_hbm.at[wid], src_v)
        pltpu.sync_copy(dst_hbm.at[wid], dst_v)

        pltpu.sync_copy(p_hbm.at[pl.ds(sid * rows_stage, rows_stage)],
                        p_s.at[pl.ds(sid * rows_stage, rows_stage)])

        plsc.subcore_barrier()

        gsems = sems[:nbuf]
        ssems = sems[nbuf:]

        def _start(j, b):
            pltpu.async_copy(p_s.at[src_v.at[j]], rows_v.at[b], gsems[b])

        for b in range(nbuf):
            _start(b, b)

        def _step(jo, carry):
            for b in range(nbuf):
                j = jo * nbuf + b
                pltpu.make_async_copy(
                    p_s.at[src_v.at[j]], rows_v.at[b], gsems[b]).wait()

                pltpu.async_copy(rows_v.at[b], acc.at[dst_v.at[j]], ssems[b],
                                 add=True)

                bp = (b - 1) % nbuf
                jp = j - 1

                @pl.when((jp >= 0) & (jp + nbuf < k_chunks))
                def _():
                    pltpu.make_async_copy(
                        rows_v.at[bp], acc.at[dst_v.at[jp]], ssems[bp]).wait()
                    _start(jp + nbuf, bp)
            return carry
        lax.fori_loop(0, k_chunks // nbuf, _step, 0)

        for b in range(nbuf):
            j = k_chunks - nbuf + b
            pltpu.make_async_copy(
                rows_v.at[b], acc.at[dst_v.at[j]], ssems[b]).wait()

        plsc.subcore_barrier()

        pltpu.sync_copy(
            acc.at[pl.ds(base, rows_per_tile)],
            out_hbm.at[pl.ds(base, rows_per_tile), pl.ds(cid * feat, feat)])

    return agg



def kernel(x, edge_index, W1_0, b1_0, W2_0, b2_0, eps0, gamma0, beta0,
           W1_1, b1_1, W2_1, b2_1, eps1, gamma1, beta1):
    n, d_in = x.shape
    h0 = W1_0.shape[1]
    h1 = W1_1.shape[1]
    e = edge_index.shape[1]

    blk = 2000
    n_pad = n + blk
    k_chunks = -(-e // (NW * CHUNK))
    k_chunks = ((k_chunks + 1) // 2) * 2
    e_pad = NW * k_chunks * CHUNK

    src = edge_index[0]
    dst = edge_index[1]
    src3 = jnp.pad(src, (0, e_pad - e)).reshape(NW, k_chunks, CHUNK)
    dst3 = jnp.pad(dst, (0, e_pad - e),
                   constant_values=n).reshape(NW, k_chunks, CHUNK)

    inv = 1.0 / jnp.sqrt(1.0 + BN_EPS)
    g0 = gamma0 * inv
    w20s = W2_0 * g0[None, :]
    u0 = (g0 * b2_0 + beta0).reshape(1, h0)
    g1 = gamma1 * inv
    w21s = W2_1 * g1[None, :]
    v1 = (g1 * b2_1 + beta1).reshape(1, h1)
    bb0 = b1_0.reshape(1, h0)
    bb1 = b1_1.reshape(1, h1)
    c0 = (1.0 + eps0).reshape(1, 1)
    c1 = (1.0 + eps1).reshape(1, 1)

    grid = n // blk
    npb = n_pad // blk

    p0 = pl.pallas_call(
        _proj_body,
        grid=(grid,),
        in_specs=[pl.BlockSpec((blk, d_in), lambda i: (i, 0)),
                  pl.BlockSpec((d_in, h0), lambda i: (0, 0))],
        out_specs=pl.BlockSpec((blk, h0), lambda i: (i, 0)),
        out_shape=jax.ShapeDtypeStruct((n, h0), jnp.float32),
    )(x, W1_0)

    agg0 = _make_agg(n_pad, n, h0, k_chunks)(p0, src3, dst3)

    p1 = pl.pallas_call(
        _layer0_body,
        grid=(grid,),
        in_specs=[pl.BlockSpec((1, 1), lambda i: (0, 0)),
                  pl.BlockSpec((blk, h0), lambda i: (i, 0)),
                  pl.BlockSpec((blk, 128), lambda i: (i, 0)),
                  pl.BlockSpec((1, h0), lambda i: (0, 0)),
                  pl.BlockSpec((h0, h0), lambda i: (0, 0)),
                  pl.BlockSpec((1, h0), lambda i: (0, 0)),
                  pl.BlockSpec((h0, h1), lambda i: (0, 0))],
        out_specs=pl.BlockSpec((blk, h1), lambda i: (i, 0)),
        out_shape=jax.ShapeDtypeStruct((n, h1), jnp.float32),
    )(c0, p0, agg0, bb0, w20s, u0, W1_1)

    agg1 = _make_agg(n_pad, n, h1, k_chunks)(p1, src3, dst3)

    n_inv = jnp.full((1, 1), 1.0 / n, jnp.float32)
    out = pl.pallas_call(
        _layer1_body,
        grid=(grid,),
        in_specs=[pl.BlockSpec((1, 1), lambda i: (0, 0)),
                  pl.BlockSpec((1, 1), lambda i: (0, 0)),
                  pl.BlockSpec((blk, h1), lambda i: (i, 0)),
                  pl.BlockSpec((blk, 128), lambda i: (i, 0)),
                  pl.BlockSpec((1, h1), lambda i: (0, 0)),
                  pl.BlockSpec((h1, h1), lambda i: (0, 0)),
                  pl.BlockSpec((1, h1), lambda i: (0, 0))],
        out_specs=pl.BlockSpec((1, h1), lambda i: (0, 0)),
        out_shape=jax.ShapeDtypeStruct((1, h1), jnp.float32),
        scratch_shapes=[pltpu.VMEM((1, h1), jnp.float32)],
    )(n_inv, c1, p1, agg1, bb1, w21s, v1)

    return out

# --- scband reference (transcript-rebuilt; emitter-appended) ---
"""Pipeline reference for scband-ginencoder-25933012533384 (READ-ONLY COPY).

The authoritative reference and input builder live on the scoring server;
editing this copy changes nothing except your own understanding.
"""

import jax, jax.numpy as jnp
import numpy as np

N = 10000
E = 320000
IN = 128
H = 64
OUT = 32
BN_EPS = 1e-5


def setup_inputs(seed: int = 0) -> dict:
    key = jax.random.key(seed)
    ks = jax.random.split(key, 20)
    x = jax.random.normal(ks[0], (N, IN), dtype=jnp.float32)
    edge_index = jax.random.randint(ks[1], (2, E), 0, N, dtype=jnp.int32)
    s = 0.05
    inp = {
        "x": x,
        "edge_index": edge_index,
        # layer 0: Linear(IN->H), Linear(H->H), eps, BatchNorm(H)
        "W1_0": jax.random.normal(ks[2], (IN, H), jnp.float32) * s,
        "b1_0": jnp.zeros((H,), jnp.float32),
        "W2_0": jax.random.normal(ks[3], (H, H), jnp.float32) * s,
        "b2_0": jnp.zeros((H,), jnp.float32),
        "eps0": jnp.zeros((), jnp.float32),
        "gamma0": jnp.ones((H,), jnp.float32),
        "beta0": jnp.zeros((H,), jnp.float32),
        # layer 1: Linear(H->OUT), Linear(OUT->OUT), eps, BatchNorm(OUT)
        "W1_1": jax.random.normal(ks[4], (H, OUT), jnp.float32) * s,
        "b1_1": jnp.zeros((OUT,), jnp.float32),
        "W2_1": jax.random.normal(ks[5], (OUT, OUT), jnp.float32) * s,
        "b2_1": jnp.zeros((OUT,), jnp.float32),
        "eps1": jnp.zeros((), jnp.float32),
        "gamma1": jnp.ones((OUT,), jnp.float32),
        "beta1": jnp.zeros((OUT,), jnp.float32),
    }
    return inp


def _gin_layer(h, src, dst, W1, b1, W2, b2, eps, gamma, beta):
    # GINConv with sum aggregation: (1+eps)*h + sum_{j in N(i)} h_j
    agg = jnp.zeros_like(h).at[dst].add(h[src])
    z = (1.0 + eps) * h + agg
    # MLP: Linear -> ReLU -> Linear
    z = jnp.maximum(jnp.dot(z, W1) + b1, 0.0)
    z = jnp.dot(z, W2) + b2
    # BatchNorm1d in eval mode (running_mean=0, running_var=1)
    z = gamma * (z - 0.0) / jnp.sqrt(1.0 + BN_EPS) + beta
    return z


def reference(x, edge_index, W1_0, b1_0, W2_0, b2_0, eps0, gamma0, beta0,
              W1_1, b1_1, W2_1, b2_1, eps1, gamma1, beta1):
    src = edge_index[0]
    dst = edge_index[1]
    h = x
    # layer 0 (+ relu, dropout is identity in eval)
    h = _gin_layer(h, src, dst, W1_0, b1_0, W2_0, b2_0, eps0, gamma0, beta0)
    h = jnp.maximum(h, 0.0)
    # layer 1 (final, no relu)
    h = _gin_layer(h, src, dst, W1_1, b1_1, W2_1, b2_1, eps1, gamma1, beta1)
    # dgl.mean_nodes over a single graph -> [1, OUT]
    return jnp.mean(h, axis=0, keepdims=True)

if __name__ == "__main__":
    import jax
    _d = setup_inputs()
    print(jax.jit(kernel)(*tuple(_d.values())))

</pallas_src>

<mosaic_0001>
#map = affine_map<(d0, d1) -> (0, 0)>
#map1 = affine_map<(d0, d1) -> (0, 0, 0)>
module attributes {stable_mosaic.version = 14 : i64} {
  func.func @agg(%arg0: i32, %arg1: i32, %arg2: memref<10000x64xf32, #tpu.memory_space<hbm>>, %arg3: memref<32x80x128xi32, #tpu.memory_space<hbm>>, %arg4: memref<32x80x128xi32, #tpu.memory_space<hbm>>, %arg5: memref<12000x128xf32, #tpu.memory_space<hbm>>, %arg6: memref<80x128xi32, #tpu.memory_space<vmem>>, %arg7: memref<80x128xi32, #tpu.memory_space<vmem>>, %arg8: memref<2x128x64xf32, #tpu.memory_space<vmem>>, %arg9: memref<75x64xf32, #tpu.memory_space<vmem>>, %arg10: memref<12000x64xf32, #tpu.memory_space<vmem_shared>>, %arg11: memref<10000x64xf32, #tpu.memory_space<vmem_shared>>, %arg12: memref<!tpu.dma_semaphore, #tpu.memory_space<semaphore_mem>>, %arg13: memref<!tpu.dma_semaphore, #tpu.memory_space<semaphore_mem>>, %arg14: memref<!tpu.dma_semaphore, #tpu.memory_space<semaphore_mem>>, %arg15: memref<!tpu.dma_semaphore, #tpu.memory_space<semaphore_mem>>) attributes {dimension_semantics = [#tpu.dimension_semantics<core_parallel>, #tpu.dimension_semantics<subcore_parallel>], iteration_bounds = array<i64: 2, 16>, scalar_prefetch = 0 : i64, scratch_operands = 10 : i64, tpu.core_type = #tpu.core_type<sc_vector_subcore>, window_params = [{transform_indices = #map}, {transform_indices = #map1}, {transform_indices = #map1}, {transform_indices = #map}]} {
    %mul3A = arith.constant 16 : i32
    %mul3A_0 = arith.muli %arg0, %mul3A : i32
    %add3A = arith.addi %mul3A_0, %arg1 : i32
    %mul3A_1 = arith.constant 750 : i32
    %mul3A_2 = arith.muli %arg1, %mul3A_1 : i32
    %scan3A = arith.constant 0 : i32
    %scan3A_3 = arith.constant 0 : i32
    %scan3A_4 = arith.constant 75 : i32
    %scan3A_5 = arith.addi %scan3A_3, %scan3A_4 : i32
    %scan3A_6 = arith.constant 1 : i32
    scf.for %scan3A_73 = %scan3A_3 to %scan3A_5 step %scan3A_6  : i32 {
      %broadcast_in_dim3A = arith.constant 0.000000e+00 : f32
      %broadcast_in_dim3A_74 = vector.broadcast %broadcast_in_dim3A : f32 to vector<16xf32>
      %swap3A = arith.index_cast %scan3A_73 : i32 to index
      %swap3A_75 = arith.constant 0 : index
      %swap3A_76 = tpu.vector_load %arg9[%swap3A, %swap3A_75] {strides = array<i32>} : memref<75x64xf32, #tpu.memory_space<vmem>>, vector<1x16xf32>,
      %swap3A_77 = vector.shape_cast %swap3A_76 : vector<1x16xf32> to vector<16xf32>
      %swap3A_78 = vector.shape_cast %broadcast_in_dim3A_74 : vector<16xf32> to vector<1x16xf32>
      tpu.vector_store %arg9[%swap3A, %swap3A_75], %swap3A_78 {strides = array<i32>} : memref<75x64xf32, #tpu.memory_space<vmem>>, vector<1x16xf32>,
      %broadcast_in_dim3A_79 = arith.constant 0.000000e+00 : f32
      %broadcast_in_dim3A_80 = vector.broadcast %broadcast_in_dim3A_79 : f32 to vector<16xf32>
      %swap3A_81 = arith.index_cast %scan3A_73 : i32 to index
      %swap3A_82 = arith.constant 16 : index
      %swap3A_83 = tpu.vector_load %arg9[%swap3A_81, %swap3A_82] {strides = array<i32>} : memref<75x64xf32, #tpu.memory_space<vmem>>, vector<1x16xf32>,
      %swap3A_84 = vector.shape_cast %swap3A_83 : vector<1x16xf32> to vector<16xf32>
      %swap3A_85 = vector.shape_cast %broadcast_in_dim3A_80 : vector<16xf32> to vector<1x16xf32>
      tpu.vector_store %arg9[%swap3A_81, %swap3A_82], %swap3A_85 {strides = array<i32>} : memref<75x64xf32, #tpu.memory_space<vmem>>, vector<1x16xf32>,
      %broadcast_in_dim3A_86 = arith.constant 0.000000e+00 : f32
      %broadcast_in_dim3A_87 = vector.broadcast %broadcast_in_dim3A_86 : f32 to vector<16xf32>
      %swap3A_88 = arith.index_cast %scan3A_73 : i32 to index
      %swap3A_89 = arith.constant 32 : index
      %swap3A_90 = tpu.vector_load %arg9[%swap3A_88, %swap3A_89] {strides = array<i32>} : memref<75x64xf32, #tpu.memory_space<vmem>>, vector<1x16xf32>,
      %swap3A_91 = vector.shape_cast %swap3A_90 : vector<1x16xf32> to vector<16xf32>
      %swap3A_92 = vector.shape_cast %broadcast_in_dim3A_87 : vector<16xf32> to vector<1x16xf32>
      tpu.vector_store %arg9[%swap3A_88, %swap3A_89], %swap3A_92 {strides = array<i32>} : memref<75x64xf32, #tpu.memory_space<vmem>>, vector<1x16xf32>,
      %broadcast_in_dim3A_93 = arith.constant 0.000000e+00 : f32
      %broadcast_in_dim3A_94 = vector.broadcast %broadcast_in_dim3A_93 : f32 to vector<16xf32>
      %swap3A_95 = arith.index_cast %scan3A_73 : i32 to index
      %swap3A_96 = arith.constant 48 : index
      %swap3A_97 = tpu.vector_load %arg9[%swap3A_95, %swap3A_96] {strides = array<i32>} : memref<75x64xf32, #tpu.memory_space<vmem>>, vector<1x16xf32>,
      %swap3A_98 = vector.shape_cast %swap3A_97 : vector<1x16xf32> to vector<16xf32>
      %swap3A_99 = vector.shape_cast %broadcast_in_dim3A_94 : vector<16xf32> to vector<1x16xf32>
      tpu.vector_store %arg9[%swap3A_95, %swap3A_96], %swap3A_99 {strides = array<i32>} : memref<75x64xf32, #tpu.memory_space<vmem>>, vector<1x16xf32>,
    }
    %scan3A_7 = arith.constant 75 : i32
    %scan3A_8 = arith.constant 0 : i32
    %scan3A_9 = arith.constant 0 : i32
    %scan3A_10 = arith.constant 10 : i32
    %scan3A_11 = arith.addi %scan3A_9, %scan3A_10 : i32
    %scan3A_12 = arith.constant 1 : i32
    scf.for %scan3A_73 = %scan3A_9 to %scan3A_11 step %scan3A_12  : i32 {
      %mul3A_74 = arith.constant 75 : i32
      %mul3A_75 = arith.muli %scan3A_73, %mul3A_74 : i32
      %add3A_76 = arith.addi %mul3A_2, %mul3A_75 : i32
      "tpu.region"() ({
        %run_scoped3A = tpu.sem_alloc : memref<!tpu.dma_semaphore, #tpu.memory_space<semaphore_mem>>
        %dma_start3A_77 = arith.constant 0 : i32
        %dma_start3A_78 = tpu.memref_slice %arg10[%add3A_76, %dma_start3A_77] : memref<12000x64xf32, #tpu.memory_space<vmem_shared>> -> memref<75x64xf32, #tpu.memory_space<vmem_shared>>
        %dma_start3A_79 = arith.constant 0 : i32
        %dma_start3A_80 = tpu.memref_slice %arg10[%add3A_76, %dma_start3A_79] : memref<12000x64xf32, #tpu.memory_space<vmem_shared>> -> memref<75x64xf32, #tpu.memory_space<vmem_shared>>
        tpu.enqueue_dma source(%arg9 : memref<75x64xf32, #tpu.memory_space<vmem>>) target(%dma_start3A_80 : memref<75x64xf32, #tpu.memory_space<vmem_shared>>) target_semaphore(%run_scoped3A : memref<!tpu.dma_semaphore, #tpu.memory_space<semaphore_mem>>)
        %dma_wait3A_81 = arith.constant 0 : i32
        %dma_wait3A_82 = tpu.memref_slice %arg10[%add3A_76, %dma_wait3A_81] : memref<12000x64xf32, #tpu.memory_space<vmem_shared>> -> memref<75x64xf32, #tpu.memory_space<vmem_shared>>
        %dma_wait3A_83 = arith.constant 0 : i32
        %dma_wait3A_84 = tpu.memref_slice %arg10[%add3A_76, %dma_wait3A_83] : memref<12000x64xf32, #tpu.memory_space<vmem_shared>> -> memref<75x64xf32, #tpu.memory_space<vmem_shared>>
        tpu.wait_dma2 semaphore(%run_scoped3A : memref<!tpu.dma_semaphore, #tpu.memory_space<semaphore_mem>>) src(%arg9 : memref<75x64xf32, #tpu.memory_space<vmem>>) dst(%dma_wait3A_84 : memref<75x64xf32, #tpu.memory_space<vmem_shared>>)
        tpu.yield
      }) : () -> ()
    }
    %scan3A_13 = arith.constant 10 : i32
    "tpu.region"() ({
      %run_scoped3A = tpu.sem_alloc : memref<!tpu.dma_semaphore, #tpu.memory_space<semaphore_mem>>
      %dma_start3A_73 = arith.constant 0 : i32
      %dma_start3A_74 = arith.constant 0 : i32
      %dma_start3A_75 = tpu.memref_slice %arg3[%add3A, %dma_start3A_73, %dma_start3A_74] : memref<32x80x128xi32, #tpu.memory_space<hbm>> -> memref<1x80x128xi32, #tpu.memory_space<hbm>>
      %dma_start3A_76 = tpu.memref_squeeze %dma_start3A_75 : memref<1x80x128xi32, #tpu.memory_space<hbm>> -> memref<80x128xi32, #tpu.memory_space<hbm>>
      %dma_start3A_77 = arith.constant 0 : i32
      %dma_start3A_78 = arith.constant 0 : i32
      %dma_start3A_79 = tpu.memref_slice %arg3[%add3A, %dma_start3A_77, %dma_start3A_78] : memref<32x80x128xi32, #tpu.memory_space<hbm>> -> memref<1x80x128xi32, #tpu.memory_space<hbm>>
      %dma_start3A_80 = tpu.memref_squeeze %dma_start3A_79 : memref<1x80x128xi32, #tpu.memory_space<hbm>> -> memref<80x128xi32, #tpu.memory_space<hbm>>
      tpu.enqueue_dma source(%dma_start3A_80 : memref<80x128xi32, #tpu.memory_space<hbm>>) target(%arg6 : memref<80x128xi32, #tpu.memory_space<vmem>>) target_semaphore(%run_scoped3A : memref<!tpu.dma_semaphore, #tpu.memory_space<semaphore_mem>>)
      %dma_wait3A_81 = arith.constant 0 : i32
      %dma_wait3A_82 = arith.constant 0 : i32
      %dma_wait3A_83 = tpu.memref_slice %arg3[%add3A, %dma_wait3A_81, %dma_wait3A_82] : memref<32x80x128xi32, #tpu.memory_space<hbm>> -> memref<1x80x128xi32, #tpu.memory_space<hbm>>
      %dma_wait3A_84 = tpu.memref_squeeze %dma_wait3A_83 : memref<1x80x128xi32, #tpu.memory_space<hbm>> -> memref<80x128xi32, #tpu.memory_space<hbm>>
      %dma_wait3A_85 = arith.constant 0 : i32
      %dma_wait3A_86 = arith.constant 0 : i32
      %dma_wait3A_87 = tpu.memref_slice %arg3[%add3A, %dma_wait3A_85, %dma_wait3A_86] : memref<32x80x128xi32, #tpu.memory_space<hbm>> -> memref<1x80x128xi32, #tpu.memory_space<hbm>>
      %dma_wait3A_88 = tpu.memref_squeeze %dma_wait3A_87 : memref<1x80x128xi32, #tpu.memory_space<hbm>> -> memref<80x128xi32, #tpu.memory_space<hbm>>
      tpu.wait_dma2 semaphore(%run_scoped3A : memref<!tpu.dma_semaphore, #tpu.memory_space<semaphore_mem>>) src(%dma_wait3A_88 : memref<80x128xi32, #tpu.memory_space<hbm>>) dst(%arg6 : memref<80x128xi32, #tpu.memory_space<vmem>>)
      tpu.yield
    }) : () -> ()
    "tpu.region"() ({
      %run_scoped3A = tpu.sem_alloc : memref<!tpu.dma_semaphore, #tpu.memory_space<semaphore_mem>>
      %dma_start3A_73 = arith.constant 0 : i32
      %dma_start3A_74 = arith.constant 0 : i32
      %dma_start3A_75 = tpu.memref_slice %arg4[%add3A, %dma_start3A_73, %dma_start3A_74] : memref<32x80x128xi32, #tpu.memory_space<hbm>> -> memref<1x80x128xi32, #tpu.memory_space<hbm>>
      %dma_start3A_76 = tpu.memref_squeeze %dma_start3A_75 : memref<1x80x128xi32, #tpu.memory_space<hbm>> -> memref<80x128xi32, #tpu.memory_space<hbm>>
      %dma_start3A_77 = arith.constant 0 : i32
      %dma_start3A_78 = arith.constant 0 : i32
      %dma_start3A_79 = tpu.memref_slice %arg4[%add3A, %dma_start3A_77, %dma_start3A_78] : memref<32x80x128xi32, #tpu.memory_space<hbm>> -> memref<1x80x128xi32, #tpu.memory_space<hbm>>
      %dma_start3A_80 = tpu.memref_squeeze %dma_start3A_79 : memref<1x80x128xi32, #tpu.memory_space<hbm>> -> memref<80x128xi32, #tpu.memory_space<hbm>>
      tpu.enqueue_dma source(%dma_start3A_80 : memref<80x128xi32, #tpu.memory_space<hbm>>) target(%arg7 : memref<80x128xi32, #tpu.memory_space<vmem>>) target_semaphore(%run_scoped3A : memref<!tpu.dma_semaphore, #tpu.memory_space<semaphore_mem>>)
      %dma_wait3A_81 = arith.constant 0 : i32
      %dma_wait3A_82 = arith.constant 0 : i32
      %dma_wait3A_83 = tpu.memref_slice %arg4[%add3A, %dma_wait3A_81, %dma_wait3A_82] : memref<32x80x128xi32, #tpu.memory_space<hbm>> -> memref<1x80x128xi32, #tpu.memory_space<hbm>>
      %dma_wait3A_84 = tpu.memref_squeeze %dma_wait3A_83 : memref<1x80x128xi32, #tpu.memory_space<hbm>> -> memref<80x128xi32, #tpu.memory_space<hbm>>
      %dma_wait3A_85 = arith.constant 0 : i32
      %dma_wait3A_86 = arith.constant 0 : i32
      %dma_wait3A_87 = tpu.memref_slice %arg4[%add3A, %dma_wait3A_85, %dma_wait3A_86] : memref<32x80x128xi32, #tpu.memory_space<hbm>> -> memref<1x80x128xi32, #tpu.memory_space<hbm>>
      %dma_wait3A_88 = tpu.memref_squeeze %dma_wait3A_87 : memref<1x80x128xi32, #tpu.memory_space<hbm>> -> memref<80x128xi32, #tpu.memory_space<hbm>>
      tpu.wait_dma2 semaphore(%run_scoped3A : memref<!tpu.dma_semaphore, #tpu.memory_space<semaphore_mem>>) src(%dma_wait3A_88 : memref<80x128xi32, #tpu.memory_space<hbm>>) dst(%arg7 : memref<80x128xi32, #tpu.memory_space<vmem>>)
      tpu.yield
    }) : () -> ()
    %mul3A_14 = arith.constant 625 : i32
    %mul3A_15 = arith.muli %arg1, %mul3A_14 : i32
    %mul3A_16 = arith.constant 625 : i32
    %mul3A_17 = arith.muli %arg1, %mul3A_16 : i32
    "tpu.region"() ({
      %run_scoped3A = tpu.sem_alloc : memref<!tpu.dma_semaphore, #tpu.memory_space<semaphore_mem>>
      %dma_start3A_73 = arith.constant 0 : i32
      %dma_start3A_74 = tpu.memref_slice %arg11[%mul3A_17, %dma_start3A_73] : memref<10000x64xf32, #tpu.memory_space<vmem_shared>> -> memref<625x64xf32, #tpu.memory_space<vmem_shared>>
      %dma_start3A_75 = arith.constant 0 : i32
      %dma_start3A_76 = tpu.memref_slice %arg2[%mul3A_15, %dma_start3A_75] : memref<10000x64xf32, #tpu.memory_space<hbm>> -> memref<625x64xf32, #tpu.memory_space<hbm>>
      tpu.enqueue_dma source(%dma_start3A_76 : memref<625x64xf32, #tpu.memory_space<hbm>>) target(%dma_start3A_74 : memref<625x64xf32, #tpu.memory_space<vmem_shared>>) target_semaphore(%run_scoped3A : memref<!tpu.dma_semaphore, #tpu.memory_space<semaphore_mem>>)
      %dma_wait3A_77 = arith.constant 0 : i32
      %dma_wait3A_78 = tpu.memref_slice %arg11[%mul3A_17, %dma_wait3A_77] : memref<10000x64xf32, #tpu.memory_space<vmem_shared>> -> memref<625x64xf32, #tpu.memory_space<vmem_shared>>
      %dma_wait3A_79 = arith.constant 0 : i32
      %dma_wait3A_80 = tpu.memref_slice %arg2[%mul3A_15, %dma_wait3A_79] : memref<10000x64xf32, #tpu.memory_space<hbm>> -> memref<625x64xf32, #tpu.memory_space<hbm>>
      tpu.wait_dma2 semaphore(%run_scoped3A : memref<!tpu.dma_semaphore, #tpu.memory_space<semaphore_mem>>) src(%dma_wait3A_80 : memref<625x64xf32, #tpu.memory_space<hbm>>) dst(%dma_wait3A_78 : memref<625x64xf32, #tpu.memory_space<vmem_shared>>)
      tpu.yield
    }) : () -> ()
    %barrier3A = arith.constant 0 : index
    tpu.barrier barrier_id(%barrier3A)
    %dma_start3A = arith.constant 0 : i32
    %dma_start3A_18 = arith.constant 0 : i32
    %dma_start3A_19 = arith.constant 0 : i32
    %dma_start3A_20 = arith.constant 0 : i32
    %dma_start3A_21 = tpu.memref_slice %arg8[%dma_start3A_18, %dma_start3A_19, %dma_start3A_20] : memref<2x128x64xf32, #tpu.memory_space<vmem>> -> memref<1x128x64xf32, #tpu.memory_space<vmem>>
    %dma_start3A_22 = tpu.memref_squeeze %dma_start3A_21 : memref<1x128x64xf32, #tpu.memory_space<vmem>> -> memref<128x64xf32, #tpu.memory_space<vmem>>
    %dma_start3A_23 = arith.constant 0 : i32
    %dma_start3A_24 = tpu.memref_slice %arg6[%dma_start3A, %dma_start3A_23] : memref<80x128xi32, #tpu.memory_space<vmem>> -> memref<1x128xi32, #tpu.memory_space<vmem>>
    %dma_start3A_25 = tpu.memref_squeeze %dma_start3A_24 : memref<1x128xi32, #tpu.memory_space<vmem>> -> memref<128xi32, #tpu.memory_space<vmem>>
    %dma_start3A_26 = arith.constant 0 : i32
    %dma_start3A_27 = arith.constant 0 : i32
    %dma_start3A_28 = tpu.memref_slice %arg11[%dma_start3A_26, %dma_start3A_27] : memref<10000x64xf32, #tpu.memory_space<vmem_shared>> -> memref<10000x64xf32, #tpu.memory_space<vmem_shared>>
    tpu.enqueue_indirect_dma source(%dma_start3A_28 : memref<10000x64xf32, #tpu.memory_space<vmem_shared>>) target(%dma_start3A_22 : memref<128x64xf32, #tpu.memory_space<vmem>>) offsets(%dma_start3A_25 : memref<128xi32, #tpu.memory_space<vmem>>) semaphore(%arg12 : memref<!tpu.dma_semaphore, #tpu.memory_space<semaphore_mem>>)
    %dma_start3A_29 = arith.constant 1 : i32
    %dma_start3A_30 = arith.constant 1 : i32
    %dma_start3A_31 = arith.constant 0 : i32
    %dma_start3A_32 = arith.constant 0 : i32
    %dma_start3A_33 = tpu.memref_slice %arg8[%dma_start3A_30, %dma_start3A_31, %dma_start3A_32] : memref<2x128x64xf32, #tpu.memory_space<vmem>> -> memref<1x128x64xf32, #tpu.memory_space<vmem>>
    %dma_start3A_34 = tpu.memref_squeeze %dma_start3A_33 : memref<1x128x64xf32, #tpu.memory_space<vmem>> -> memref<128x64xf32, #tpu.memory_space<vmem>>
    %dma_start3A_35 = arith.constant 0 : i32
    %dma_start3A_36 = tpu.memref_slice %arg6[%dma_start3A_29, %dma_start3A_35] : memref<80x128xi32, #tpu.memory_space<vmem>> -> memref<1x128xi32, #tpu.memory_space<vmem>>
    %dma_start3A_37 = tpu.memref_squeeze %dma_start3A_36 : memref<1x128xi32, #tpu.memory_space<vmem>> -> memref<128xi32, #tpu.memory_space<vmem>>
    %dma_start3A_38 = arith.constant 0 : i32
    %dma_start3A_39 = arith.constant 0 : i32
    %dma_start3A_40 = tpu.memref_slice %arg11[%dma_start3A_38, %dma_start3A_39] : memref<10000x64xf32, #tpu.memory_space<vmem_shared>> -> memref<10000x64xf32, #tpu.memory_space<vmem_shared>>
    tpu.enqueue_indirect_dma source(%dma_start3A_40 : memref<10000x64xf32, #tpu.memory_space<vmem_shared>>) target(%dma_start3A_34 : memref<128x64xf32, #tpu.memory_space<vmem>>) offsets(%dma_start3A_37 : memref<128xi32, #tpu.memory_space<vmem>>) semaphore(%arg13 : memref<!tpu.dma_semaphore, #tpu.memory_space<semaphore_mem>>)
    %scan3A_41 = arith.constant 0 : i32
    %scan3A_42 = arith.constant 0 : i32
    %scan3A_43 = arith.constant 40 : i32
    %scan3A_44 = arith.addi %scan3A_42, %scan3A_43 : i32
    %scan3A_45 = arith.constant 1 : i32
    scf.for %scan3A_73 = %scan3A_42 to %scan3A_44 step %scan3A_45  : i32 {
      %mul3A_74 = arith.constant 2 : i32
      %mul3A_75 = arith.muli %scan3A_73, %mul3A_74 : i32
      %add3A_76 = arith.constant 0 : i32
      %add3A_77 = arith.addi %mul3A_75, %add3A_76 : i32
      %dma_wait3A_78 = arith.constant 0 : i32
      %dma_wait3A_79 = arith.constant 0 : i32
      %dma_wait3A_80 = arith.constant 0 : i32
      %dma_wait3A_81 = tpu.memref_slice %arg8[%dma_wait3A_78, %dma_wait3A_79, %dma_wait3A_80] : memref<2x128x64xf32, #tpu.memory_space<vmem>> -> memref<1x128x64xf32, #tpu.memory_space<vmem>>
      %dma_wait3A_82 = tpu.memref_squeeze %dma_wait3A_81 : memref<1x128x64xf32, #tpu.memory_space<vmem>> -> memref<128x64xf32, #tpu.memory_space<vmem>>
      %dma_wait3A_83 = arith.constant 0 : i32
      %dma_wait3A_84 = tpu.memref_slice %arg6[%add3A_77, %dma_wait3A_83] : memref<80x128xi32, #tpu.memory_space<vmem>> -> memref<1x128xi32, #tpu.memory_space<vmem>>
      %dma_wait3A_85 = tpu.memref_squeeze %dma_wait3A_84 : memref<1x128xi32, #tpu.memory_space<vmem>> -> memref<128xi32, #tpu.memory_space<vmem>>
      %dma_wait3A_86 = arith.constant 0 : i32
      %dma_wait3A_87 = arith.constant 0 : i32
      %dma_wait3A_88 = tpu.memref_slice %arg11[%dma_wait3A_86, %dma_wait3A_87] : memref<10000x64xf32, #tpu.memory_space<vmem_shared>> -> memref<10000x64xf32, #tpu.memory_space<vmem_shared>>
      tpu.wait_indirect_dma semaphore(%arg12 : memref<!tpu.dma_semaphore, #tpu.memory_space<semaphore_mem>>) src(%dma_wait3A_88 : memref<10000x64xf32, #tpu.memory_space<vmem_shared>>) dst(%dma_wait3A_82 : memref<128x64xf32, #tpu.memory_space<vmem>>)
      %dma_start3A_89 = arith.constant 0 : i32
      %dma_start3A_90 = arith.constant 0 : i32
      %dma_start3A_91 = arith.constant 0 : i32
      %dma_start3A_92 = tpu.memref_slice %arg8[%dma_start3A_89, %dma_start3A_90, %dma_start3A_91] : memref<2x128x64xf32, #tpu.memory_space<vmem>> -> memref<1x128x64xf32, #tpu.memory_space<vmem>>
      %dma_start3A_93 = tpu.memref_squeeze %dma_start3A_92 : memref<1x128x64xf32, #tpu.memory_space<vmem>> -> memref<128x64xf32, #tpu.memory_space<vmem>>
      %dma_start3A_94 = arith.constant 0 : i32
      %dma_start3A_95 = tpu.memref_slice %arg7[%add3A_77, %dma_start3A_94] : memref<80x128xi32, #tpu.memory_space<vmem>> -> memref<1x128xi32, #tpu.memory_space<vmem>>
      %dma_start3A_96 = tpu.memref_squeeze %dma_start3A_95 : memref<1x128xi32, #tpu.memory_space<vmem>> -> memref<128xi32, #tpu.memory_space<vmem>>
      %dma_start3A_97 = arith.constant 0 : i32
      %dma_start3A_98 = arith.constant 0 : i32
      %dma_start3A_99 = tpu.memref_slice %arg10[%dma_start3A_97, %dma_start3A_98] : memref<12000x64xf32, #tpu.memory_space<vmem_shared>> -> memref<12000x64xf32, #tpu.memory_space<vmem_shared>>
      tpu.enqueue_indirect_dma source(%dma_start3A_93 : memref<128x64xf32, #tpu.memory_space<vmem>>) target(%dma_start3A_99 : memref<12000x64xf32, #tpu.memory_space<vmem_shared>>) offsets(%dma_start3A_96 : memref<128xi32, #tpu.memory_space<vmem>>) semaphore(%arg14 : memref<!tpu.dma_semaphore, #tpu.memory_space<semaphore_mem>>) {add = true}
      %sub3A = arith.constant 1 : i32
      %sub3A_100 = arith.subi %add3A_77, %sub3A : i32
      %ge3A = arith.constant 0 : i32
      %ge3A_101 = arith.cmpi sge, %sub3A_100, %ge3A : i32
      %add3A_102 = arith.constant 2 : i32
      %add3A_103 = arith.addi %sub3A_100, %add3A_102 : i32
      %lt3A = arith.constant 80 : i32
      %lt3A_104 = arith.cmpi slt, %add3A_103, %lt3A : i32
      %and3A = arith.andi %ge3A_101, %lt3A_104 : i1
      %convert_element_type3A = arith.extui %and3A : i1 to i32
      %cond3A = arith.constant 0 : i32
      %cond3A_105 = arith.cmpi ne, %convert_element_type3A, %cond3A : i32
      scf.if %cond3A_105 {
        %dma_wait3A_144 = arith.constant 1 : i32
        %dma_wait3A_145 = arith.constant 0 : i32
        %dma_wait3A_146 = arith.constant 0 : i32
        %dma_wait3A_147 = tpu.memref_slice %arg8[%dma_wait3A_144, %dma_wait3A_145, %dma_wait3A_146] : memref<2x128x64xf32, #tpu.memory_space<vmem>> -> memref<1x128x64xf32, #tpu.memory_space<vmem>>
        %dma_wait3A_148 = tpu.memref_squeeze %dma_wait3A_147 : memref<1x128x64xf32, #tpu.memory_space<vmem>> -> memref<128x64xf32, #tpu.memory_space<vmem>>
        %dma_wait3A_149 = arith.constant 0 : i32
        %dma_wait3A_150 = tpu.memref_slice %arg7[%sub3A_100, %dma_wait3A_149] : memref<80x128xi32, #tpu.memory_space<vmem>> -> memref<1x128xi32, #tpu.memory_space<vmem>>
        %dma_wait3A_151 = tpu.memref_squeeze %dma_wait3A_150 : memref<1x128xi32, #tpu.memory_space<vmem>> -> memref<128xi32, #tpu.memory_space<vmem>>
        %dma_wait3A_152 = arith.constant 0 : i32
        %dma_wait3A_153 = arith.constant 0 : i32
        %dma_wait3A_154 = tpu.memref_slice %arg10[%dma_wait3A_152, %dma_wait3A_153] : memref<12000x64xf32, #tpu.memory_space<vmem_shared>> -> memref<12000x64xf32, #tpu.memory_space<vmem_shared>>
        tpu.wait_indirect_dma semaphore(%arg15 : memref<!tpu.dma_semaphore, #tpu.memory_space<semaphore_mem>>) src(%dma_wait3A_148 : memref<128x64xf32, #tpu.memory_space<vmem>>) dst(%dma_wait3A_154 : memref<12000x64xf32, #tpu.memory_space<vmem_shared>>)
        %add3A_155 = arith.constant 2 : i32
        %add3A_156 = arith.addi %sub3A_100, %add3A_155 : i32
        %dma_start3A_157 = arith.constant 1 : i32
        %dma_start3A_158 = arith.constant 0 : i32
        %dma_start3A_159 = arith.constant 0 : i32
        %dma_start3A_160 = tpu.memref_slice %arg8[%dma_start3A_157, %dma_start3A_158, %dma_start3A_159] : memref<2x128x64xf32, #tpu.memory_space<vmem>> -> memref<1x128x64xf32, #tpu.memory_space<vmem>>
        %dma_start3A_161 = tpu.memref_squeeze %dma_start3A_160 : memref<1x128x64xf32, #tpu.memory_space<vmem>> -> memref<128x64xf32, #tpu.memory_space<vmem>>
        %dma_start3A_162 = arith.constant 0 : i32
        %dma_start3A_163 = tpu.memref_slice %arg6[%add3A_156, %dma_start3A_162] : memref<80x128xi32, #tpu.memory_space<vmem>> -> memref<1x128xi32, #tpu.memory_space<vmem>>
        %dma_start3A_164 = tpu.memref_squeeze %dma_start3A_163 : memref<1x128xi32, #tpu.memory_space<vmem>> -> memref<128xi32, #tpu.memory_space<vmem>>
        %dma_start3A_165 = arith.constant 0 : i32
        %dma_start3A_166 = arith.constant 0 : i32
        %dma_start3A_167 = tpu.memref_slice %arg11[%dma_start3A_165, %dma_start3A_166] : memref<10000x64xf32, #tpu.memory_space<vmem_shared>> -> memref<10000x64xf32, #tpu.memory_space<vmem_shared>>
        tpu.enqueue_indirect_dma source(%dma_start3A_167 : memref<10000x64xf32, #tpu.memory_space<vmem_shared>>) target(%dma_start3A_161 : memref<128x64xf32, #tpu.memory_space<vmem>>) offsets(%dma_start3A_164 : memref<128xi32, #tpu.memory_space<vmem>>) semaphore(%arg13 : memref<!tpu.dma_semaphore, #tpu.memory_space<semaphore_mem>>)
      } else {
      }
      %mul3A_106 = arith.constant 2 : i32
      %mul3A_107 = arith.muli %scan3A_73, %mul3A_106 : i32
      %add3A_108 = arith.constant 1 : i32
      %add3A_109 = arith.addi %mul3A_107, %add3A_108 : i32
      %dma_wait3A_110 = arith.constant 1 : i32
      %dma_wait3A_111 = arith.constant 0 : i32
      %dma_wait3A_112 = arith.constant 0 : i32
      %dma_wait3A_113 = tpu.memref_slice %arg8[%dma_wait3A_110, %dma_wait3A_111, %dma_wait3A_112] : memref<2x128x64xf32, #tpu.memory_space<vmem>> -> memref<1x128x64xf32, #tpu.memory_space<vmem>>
      %dma_wait3A_114 = tpu.memref_squeeze %dma_wait3A_113 : memref<1x128x64xf32, #tpu.memory_space<vmem>> -> memref<128x64xf32, #tpu.memory_space<vmem>>
      %dma_wait3A_115 = arith.constant 0 : i32
      %dma_wait3A_116 = tpu.memref_slice %arg6[%add3A_109, %dma_wait3A_115] : memref<80x128xi32, #tpu.memory_space<vmem>> -> memref<1x128xi32, #tpu.memory_space<vmem>>
      %dma_wait3A_117 = tpu.memref_squeeze %dma_wait3A_116 : memref<1x128xi32, #tpu.memory_space<vmem>> -> memref<128xi32, #tpu.memory_space<vmem>>
      %dma_wait3A_118 = arith.constant 0 : i32
      %dma_wait3A_119 = arith.constant 0 : i32
      %dma_wait3A_120 = tpu.memref_slice %arg11[%dma_wait3A_118, %dma_wait3A_119] : memref<10000x64xf32, #tpu.memory_space<vmem_shared>> -> memref<10000x64xf32, #tpu.memory_space<vmem_shared>>
      tpu.wait_indirect_dma semaphore(%arg13 : memref<!tpu.dma_semaphore, #tpu.memory_space<semaphore_mem>>) src(%dma_wait3A_120 : memref<10000x64xf32, #tpu.memory_space<vmem_shared>>) dst(%dma_wait3A_114 : memref<128x64xf32, #tpu.memory_space<vmem>>)
      %dma_start3A_121 = arith.constant 1 : i32
      %dma_start3A_122 = arith.constant 0 : i32
      %dma_start3A_123 = arith.constant 0 : i32
      %dma_start3A_124 = tpu.memref_slice %arg8[%dma_start3A_121, %dma_start3A_122, %dma_start3A_123] : memref<2x128x64xf32, #tpu.memory_space<vmem>> -> memref<1x128x64xf32, #tpu.memory_space<vmem>>
      %dma_start3A_125 = tpu.memref_squeeze %dma_start3A_124 : memref<1x128x64xf32, #tpu.memory_space<vmem>> -> memref<128x64xf32, #tpu.memory_space<vmem>>
      %dma_start3A_126 = arith.constant 0 : i32
      %dma_start3A_127 = tpu.memref_slice %arg7[%add3A_109, %dma_start3A_126] : memref<80x128xi32, #tpu.memory_space<vmem>> -> memref<1x128xi32, #tpu.memory_space<vmem>>
      %dma_start3A_128 = tpu.memref_squeeze %dma_start3A_127 : memref<1x128xi32, #tpu.memory_space<vmem>> -> memref<128xi32, #tpu.memory_space<vmem>>
      %dma_start3A_129 = arith.constant 0 : i32
      %dma_start3A_130 = arith.constant 0 : i32
      %dma_start3A_131 = tpu.memref_slice %arg10[%dma_start3A_129, %dma_start3A_130] : memref<12000x64xf32, #tpu.memory_space<vmem_shared>> -> memref<12000x64xf32, #tpu.memory_space<vmem_shared>>
      tpu.enqueue_indirect_dma source(%dma_start3A_125 : memref<128x64xf32, #tpu.memory_space<vmem>>) target(%dma_start3A_131 : memref<12000x64xf32, #tpu.memory_space<vmem_shared>>) offsets(%dma_start3A_128 : memref<128xi32, #tpu.memory_space<vmem>>) semaphore(%arg15 : memref<!tpu.dma_semaphore, #tpu.memory_space<semaphore_mem>>) {add = true}
      %sub3A_132 = arith.constant 1 : i32
      %sub3A_133 = arith.subi %add3A_109, %sub3A_132 : i32
      %ge3A_134 = arith.constant 0 : i32
      %ge3A_135 = arith.cmpi sge, %sub3A_133, %ge3A_134 : i32
      %add3A_136 = arith.constant 2 : i32
      %add3A_137 = arith.addi %sub3A_133, %add3A_136 : i32
      %lt3A_138 = arith.constant 80 : i32
      %lt3A_139 = arith.cmpi slt, %add3A_137, %lt3A_138 : i32
      %and3A_140 = arith.andi %ge3A_135, %lt3A_139 : i1
      %convert_element_type3A_141 = arith.extui %and3A_140 : i1 to i32
      %cond3A_142 = arith.constant 0 : i32
      %cond3A_143 = arith.cmpi ne, %convert_element_type3A_141, %cond3A_142 : i32
      scf.if %cond3A_143 {
        %dma_wait3A_144 = arith.constant 0 : i32
        %dma_wait3A_145 = arith.constant 0 : i32
        %dma_wait3A_146 = arith.constant 0 : i32
        %dma_wait3A_147 = tpu.memref_slice %arg8[%dma_wait3A_144, %dma_wait3A_145, %dma_wait3A_146] : memref<2x128x64xf32, #tpu.memory_space<vmem>> -> memref<1x128x64xf32, #tpu.memory_space<vmem>>
        %dma_wait3A_148 = tpu.memref_squeeze %dma_wait3A_147 : memref<1x128x64xf32, #tpu.memory_space<vmem>> -> memref<128x64xf32, #tpu.memory_space<vmem>>
        %dma_wait3A_149 = arith.constant 0 : i32
        %dma_wait3A_150 = tpu.memref_slice %arg7[%sub3A_133, %dma_wait3A_149] : memref<80x128xi32, #tpu.memory_space<vmem>> -> memref<1x128xi32, #tpu.memory_space<vmem>>
        %dma_wait3A_151 = tpu.memref_squeeze %dma_wait3A_150 : memref<1x128xi32, #tpu.memory_space<vmem>> -> memref<128xi32, #tpu.memory_space<vmem>>
        %dma_wait3A_152 = arith.constant 0 : i32
        %dma_wait3A_153 = arith.constant 0 : i32
        %dma_wait3A_154 = tpu.memref_slice %arg10[%dma_wait3A_152, %dma_wait3A_153] : memref<12000x64xf32, #tpu.memory_space<vmem_shared>> -> memref<12000x64xf32, #tpu.memory_space<vmem_shared>>
        tpu.wait_indirect_dma semaphore(%arg14 : memref<!tpu.dma_semaphore, #tpu.memory_space<semaphore_mem>>) src(%dma_wait3A_148 : memref<128x64xf32, #tpu.memory_space<vmem>>) dst(%dma_wait3A_154 : memref<12000x64xf32, #tpu.memory_space<vmem_shared>>)
        %add3A_155 = arith.constant 2 : i32
        %add3A_156 = arith.addi %sub3A_133, %add3A_155 : i32
        %dma_start3A_157 = arith.constant 0 : i32
        %dma_start3A_158 = arith.constant 0 : i32
        %dma_start3A_159 = arith.constant 0 : i32
        %dma_start3A_160 = tpu.memref_slice %arg8[%dma_start3A_157, %dma_start3A_158, %dma_start3A_159] : memref<2x128x64xf32, #tpu.memory_space<vmem>> -> memref<1x128x64xf32, #tpu.memory_space<vmem>>
        %dma_start3A_161 = tpu.memref_squeeze %dma_start3A_160 : memref<1x128x64xf32, #tpu.memory_space<vmem>> -> memref<128x64xf32, #tpu.memory_space<vmem>>
        %dma_start3A_162 = arith.constant 0 : i32
        %dma_start3A_163 = tpu.memref_slice %arg6[%add3A_156, %dma_start3A_162] : memref<80x128xi32, #tpu.memory_space<vmem>> -> memref<1x128xi32, #tpu.memory_space<vmem>>
        %dma_start3A_164 = tpu.memref_squeeze %dma_start3A_163 : memref<1x128xi32, #tpu.memory_space<vmem>> -> memref<128xi32, #tpu.memory_space<vmem>>
        %dma_start3A_165 = arith.constant 0 : i32
        %dma_start3A_166 = arith.constant 0 : i32
        %dma_start3A_167 = tpu.memref_slice %arg11[%dma_start3A_165, %dma_start3A_166] : memref<10000x64xf32, #tpu.memory_space<vmem_shared>> -> memref<10000x64xf32, #tpu.memory_space<vmem_shared>>
        tpu.enqueue_indirect_dma source(%dma_start3A_167 : memref<10000x64xf32, #tpu.memory_space<vmem_shared>>) target(%dma_start3A_161 : memref<128x64xf32, #tpu.memory_space<vmem>>) offsets(%dma_start3A_164 : memref<128xi32, #tpu.memory_space<vmem>>) semaphore(%arg12 : memref<!tpu.dma_semaphore, #tpu.memory_space<semaphore_mem>>)
      } else {
      }
    }
    %scan3A_46 = arith.constant 40 : i32
    %dma_wait3A = arith.constant 0 : i32
    %dma_wait3A_47 = arith.constant 78 : i32
    %dma_wait3A_48 = arith.constant 0 : i32
    %dma_wait3A_49 = arith.constant 0 : i32
    %dma_wait3A_50 = tpu.memref_slice %arg8[%dma_wait3A, %dma_wait3A_48, %dma_wait3A_49] : memref<2x128x64xf32, #tpu.memory_space<vmem>> -> memref<1x128x64xf32, #tpu.memory_space<vmem>>
    %dma_wait3A_51 = tpu.memref_squeeze %dma_wait3A_50 : memref<1x128x64xf32, #tpu.memory_space<vmem>> -> memref<128x64xf32, #tpu.memory_space<vmem>>
    %dma_wait3A_52 = arith.constant 0 : i32
    %dma_wait3A_53 = tpu.memref_slice %arg7[%dma_wait3A_47, %dma_wait3A_52] : memref<80x128xi32, #tpu.memory_space<vmem>> -> memref<1x128xi32, #tpu.memory_space<vmem>>
    %dma_wait3A_54 = tpu.memref_squeeze %dma_wait3A_53 : memref<1x128xi32, #tpu.memory_space<vmem>> -> memref<128xi32, #tpu.memory_space<vmem>>
    %dma_wait3A_55 = arith.constant 0 : i32
    %dma_wait3A_56 = arith.constant 0 : i32
    %dma_wait3A_57 = tpu.memref_slice %arg10[%dma_wait3A_55, %dma_wait3A_56] : memref<12000x64xf32, #tpu.memory_space<vmem_shared>> -> memref<12000x64xf32, #tpu.memory_space<vmem_shared>>
    tpu.wait_indirect_dma semaphore(%arg14 : memref<!tpu.dma_semaphore, #tpu.memory_space<semaphore_mem>>) src(%dma_wait3A_51 : memref<128x64xf32, #tpu.memory_space<vmem>>) dst(%dma_wait3A_57 : memref<12000x64xf32, #tpu.memory_space<vmem_shared>>)
    %dma_wait3A_58 = arith.constant 1 : i32
    %dma_wait3A_59 = arith.constant 79 : i32
    %dma_wait3A_60 = arith.constant 0 : i32
    %dma_wait3A_61 = arith.constant 0 : i32
    %dma_wait3A_62 = tpu.memref_slice %arg8[%dma_wait3A_58, %dma_wait3A_60, %dma_wait3A_61] : memref<2x128x64xf32, #tpu.memory_space<vmem>> -> memref<1x128x64xf32, #tpu.memory_space<vmem>>
    %dma_wait3A_63 = tpu.memref_squeeze %dma_wait3A_62 : memref<1x128x64xf32, #tpu.memory_space<vmem>> -> memref<128x64xf32, #tpu.memory_space<vmem>>
    %dma_wait3A_64 = arith.constant 0 : i32
    %dma_wait3A_65 = tpu.memref_slice %arg7[%dma_wait3A_59, %dma_wait3A_64] : memref<80x128xi32, #tpu.memory_space<vmem>> -> memref<1x128xi32, #tpu.memory_space<vmem>>
    %dma_wait3A_66 = tpu.memref_squeeze %dma_wait3A_65 : memref<1x128xi32, #tpu.memory_space<vmem>> -> memref<128xi32, #tpu.memory_space<vmem>>
    %dma_wait3A_67 = arith.constant 0 : i32
    %dma_wait3A_68 = arith.constant 0 : i32
    %dma_wait3A_69 = tpu.memref_slice %arg10[%dma_wait3A_67, %dma_wait3A_68] : memref<12000x64xf32, #tpu.memory_space<vmem_shared>> -> memref<12000x64xf32, #tpu.memory_space<vmem_shared>>
    tpu.wait_indirect_dma semaphore(%arg15 : memref<!tpu.dma_semaphore, #tpu.memory_space<semaphore_mem>>) src(%dma_wait3A_63 : memref<128x64xf32, #tpu.memory_space<vmem>>) dst(%dma_wait3A_69 : memref<12000x64xf32, #tpu.memory_space<vmem_shared>>)
    %barrier3A_70 = arith.constant 0 : index
    tpu.barrier barrier_id(%barrier3A_70)
    %mul3A_71 = arith.constant 64 : i32
    %mul3A_72 = arith.muli %arg0, %mul3A_71 : i32
    "tpu.region"() ({
      %run_scoped3A = tpu.sem_alloc : memref<!tpu.dma_semaphore, #tpu.memory_space<semaphore_mem>>
      %dma_start3A_73 = tpu.memref_slice %arg5[%mul3A_2, %mul3A_72] : memref<12000x128xf32, #tpu.memory_space<hbm>> -> memref<750x64xf32, #tpu.memory_space<hbm>>
      %dma_start3A_74 = arith.constant 0 : i32
      %dma_start3A_75 = tpu.memref_slice %arg10[%mul3A_2, %dma_start3A_74] : memref<12000x64xf32, #tpu.memory_space<vmem_shared>> -> memref<750x64xf32, #tpu.memory_space<vmem_shared>>
      tpu.enqueue_dma source(%dma_start3A_75 : memref<750x64xf32, #tpu.memory_space<vmem_shared>>) target(%dma_start3A_73 : memref<750x64xf32, #tpu.memory_space<hbm>>) target_semaphore(%run_scoped3A : memref<!tpu.dma_semaphore, #tpu.memory_space<semaphore_mem>>)
      %dma_wait3A_76 = tpu.memref_slice %arg5[%mul3A_2, %mul3A_72] : memref<12000x128xf32, #tpu.memory_space<hbm>> -> memref<750x64xf32, #tpu.memory_space<hbm>>
      %dma_wait3A_77 = arith.constant 0 : i32
      %dma_wait3A_78 = tpu.memref_slice %arg10[%mul3A_2, %dma_wait3A_77] : memref<12000x64xf32, #tpu.memory_space<vmem_shared>> -> memref<750x64xf32, #tpu.memory_space<vmem_shared>>
      tpu.wait_dma2 semaphore(%run_scoped3A : memref<!tpu.dma_semaphore, #tpu.memory_space<semaphore_mem>>) src(%dma_wait3A_78 : memref<750x64xf32, #tpu.memory_space<vmem_shared>>) dst(%dma_wait3A_76 : memref<750x64xf32, #tpu.memory_space<hbm>>)
      tpu.yield
    }) : () -> ()
    return
  }
}

#map = affine_map<(d0, d1) -> (0, 0)>
#map1 = affine_map<(d0, d1) -> (0, 0, 0)>
module attributes {stable_mosaic.version = 14 : i64} {
  func.func @agg(%arg0: i32, %arg1: i32, %arg2: memref<10000x32xf32, #tpu.memory_space<hbm>>, %arg3: memref<32x80x128xi32, #tpu.memory_space<hbm>>, %arg4: memref<32x80x128xi32, #tpu.memory_space<hbm>>, %arg5: memref<12000x128xf32, #tpu.memory_space<hbm>>, %arg6: memref<80x128xi32, #tpu.memory_space<vmem>>, %arg7: memref<80x128xi32, #tpu.memory_space<vmem>>, %arg8: memref<2x128x32xf32, #tpu.memory_space<vmem>>, %arg9: memref<125x32xf32, #tpu.memory_space<vmem>>, %arg10: memref<12000x32xf32, #tpu.memory_space<vmem_shared>>, %arg11: memref<10000x32xf32, #tpu.memory_space<vmem_shared>>, %arg12: memref<!tpu.dma_semaphore, #tpu.memory_space<semaphore_mem>>, %arg13: memref<!tpu.dma_semaphore, #tpu.memory_space<semaphore_mem>>, %arg14: memref<!tpu.dma_semaphore, #tpu.memory_space<semaphore_mem>>, %arg15: memref<!tpu.dma_semaphore, #tpu.memory_space<semaphore_mem>>) attributes {dimension_semantics = [#tpu.dimension_semantics<core_parallel>, #tpu.dimension_semantics<subcore_parallel>], iteration_bounds = array<i64: 2, 16>, scalar_prefetch = 0 : i64, scratch_operands = 10 : i64, tpu.core_type = #tpu.core_type<sc_vector_subcore>, window_params = [{transform_indices = #map}, {transform_indices = #map1}, {transform_indices = #map1}, {transform_indices = #map}]} {
    %mul3A = arith.constant 16 : i32
    %mul3A_0 = arith.muli %arg0, %mul3A : i32
    %add3A = arith.addi %mul3A_0, %arg1 : i32
    %mul3A_1 = arith.constant 750 : i32
    %mul3A_2 = arith.muli %arg1, %mul3A_1 : i32
    %scan3A = arith.constant 0 : i32
    %scan3A_3 = arith.constant 0 : i32
    %scan3A_4 = arith.constant 125 : i32
    %scan3A_5 = arith.addi %scan3A_3, %scan3A_4 : i32
    %scan3A_6 = arith.constant 1 : i32
    scf.for %scan3A_73 = %scan3A_3 to %scan3A_5 step %scan3A_6  : i32 {
      %broadcast_in_dim3A = arith.constant 0.000000e+00 : f32
      %broadcast_in_dim3A_74 = vector.broadcast %broadcast_in_dim3A : f32 to vector<16xf32>
      %swap3A = arith.index_cast %scan3A_73 : i32 to index
      %swap3A_75 = arith.constant 0 : index
      %swap3A_76 = tpu.vector_load %arg9[%swap3A, %swap3A_75] {strides = array<i32>} : memref<125x32xf32, #tpu.memory_space<vmem>>, vector<1x16xf32>,
      %swap3A_77 = vector.shape_cast %swap3A_76 : vector<1x16xf32> to vector<16xf32>
      %swap3A_78 = vector.shape_cast %broadcast_in_dim3A_74 : vector<16xf32> to vector<1x16xf32>
      tpu.vector_store %arg9[%swap3A, %swap3A_75], %swap3A_78 {strides = array<i32>} : memref<125x32xf32, #tpu.memory_space<vmem>>, vector<1x16xf32>,
      %broadcast_in_dim3A_79 = arith.constant 0.000000e+00 : f32
      %broadcast_in_dim3A_80 = vector.broadcast %broadcast_in_dim3A_79 : f32 to vector<16xf32>
      %swap3A_81 = arith.index_cast %scan3A_73 : i32 to index
      %swap3A_82 = arith.constant 16 : index
      %swap3A_83 = tpu.vector_load %arg9[%swap3A_81, %swap3A_82] {strides = array<i32>} : memref<125x32xf32, #tpu.memory_space<vmem>>, vector<1x16xf32>,
      %swap3A_84 = vector.shape_cast %swap3A_83 : vector<1x16xf32> to vector<16xf32>
      %swap3A_85 = vector.shape_cast %broadcast_in_dim3A_80 : vector<16xf32> to vector<1x16xf32>
      tpu.vector_store %arg9[%swap3A_81, %swap3A_82], %swap3A_85 {strides = array<i32>} : memref<125x32xf32, #tpu.memory_space<vmem>>, vector<1x16xf32>,
    }
    %scan3A_7 = arith.constant 125 : i32
    %scan3A_8 = arith.constant 0 : i32
    %scan3A_9 = arith.constant 0 : i32
    %scan3A_10 = arith.constant 6 : i32
    %scan3A_11 = arith.addi %scan3A_9, %scan3A_10 : i32
    %scan3A_12 = arith.constant 1 : i32
    scf.for %scan3A_73 = %scan3A_9 to %scan3A_11 step %scan3A_12  : i32 {
      %mul3A_74 = arith.constant 125 : i32
      %mul3A_75 = arith.muli %scan3A_73, %mul3A_74 : i32
      %add3A_76 = arith.addi %mul3A_2, %mul3A_75 : i32
      "tpu.region"() ({
        %run_scoped3A = tpu.sem_alloc : memref<!tpu.dma_semaphore, #tpu.memory_space<semaphore_mem>>
        %dma_start3A_77 = arith.constant 0 : i32
        %dma_start3A_78 = tpu.memref_slice %arg10[%add3A_76, %dma_start3A_77] : memref<12000x32xf32, #tpu.memory_space<vmem_shared>> -> memref<125x32xf32, #tpu.memory_space<vmem_shared>>
        %dma_start3A_79 = arith.constant 0 : i32
        %dma_start3A_80 = tpu.memref_slice %arg10[%add3A_76, %dma_start3A_79] : memref<12000x32xf32, #tpu.memory_space<vmem_shared>> -> memref<125x32xf32, #tpu.memory_space<vmem_shared>>
        tpu.enqueue_dma source(%arg9 : memref<125x32xf32, #tpu.memory_space<vmem>>) target(%dma_start3A_80 : memref<125x32xf32, #tpu.memory_space<vmem_shared>>) target_semaphore(%run_scoped3A : memref<!tpu.dma_semaphore, #tpu.memory_space<semaphore_mem>>)
        %dma_wait3A_81 = arith.constant 0 : i32
        %dma_wait3A_82 = tpu.memref_slice %arg10[%add3A_76, %dma_wait3A_81] : memref<12000x32xf32, #tpu.memory_space<vmem_shared>> -> memref<125x32xf32, #tpu.memory_space<vmem_shared>>
        %dma_wait3A_83 = arith.constant 0 : i32
        %dma_wait3A_84 = tpu.memref_slice %arg10[%add3A_76, %dma_wait3A_83] : memref<12000x32xf32, #tpu.memory_space<vmem_shared>> -> memref<125x32xf32, #tpu.memory_space<vmem_shared>>
        tpu.wait_dma2 semaphore(%run_scoped3A : memref<!tpu.dma_semaphore, #tpu.memory_space<semaphore_mem>>) src(%arg9 : memref<125x32xf32, #tpu.memory_space<vmem>>) dst(%dma_wait3A_84 : memref<125x32xf32, #tpu.memory_space<vmem_shared>>)
        tpu.yield
      }) : () -> ()
    }
    %scan3A_13 = arith.constant 6 : i32
    "tpu.region"() ({
      %run_scoped3A = tpu.sem_alloc : memref<!tpu.dma_semaphore, #tpu.memory_space<semaphore_mem>>
      %dma_start3A_73 = arith.constant 0 : i32
      %dma_start3A_74 = arith.constant 0 : i32
      %dma_start3A_75 = tpu.memref_slice %arg3[%add3A, %dma_start3A_73, %dma_start3A_74] : memref<32x80x128xi32, #tpu.memory_space<hbm>> -> memref<1x80x128xi32, #tpu.memory_space<hbm>>
      %dma_start3A_76 = tpu.memref_squeeze %dma_start3A_75 : memref<1x80x128xi32, #tpu.memory_space<hbm>> -> memref<80x128xi32, #tpu.memory_space<hbm>>
      %dma_start3A_77 = arith.constant 0 : i32
      %dma_start3A_78 = arith.constant 0 : i32
      %dma_start3A_79 = tpu.memref_slice %arg3[%add3A, %dma_start3A_77, %dma_start3A_78] : memref<32x80x128xi32, #tpu.memory_space<hbm>> -> memref<1x80x128xi32, #tpu.memory_space<hbm>>
      %dma_start3A_80 = tpu.memref_squeeze %dma_start3A_79 : memref<1x80x128xi32, #tpu.memory_space<hbm>> -> memref<80x128xi32, #tpu.memory_space<hbm>>
      tpu.enqueue_dma source(%dma_start3A_80 : memref<80x128xi32, #tpu.memory_space<hbm>>) target(%arg6 : memref<80x128xi32, #tpu.memory_space<vmem>>) target_semaphore(%run_scoped3A : memref<!tpu.dma_semaphore, #tpu.memory_space<semaphore_mem>>)
      %dma_wait3A_81 = arith.constant 0 : i32
      %dma_wait3A_82 = arith.constant 0 : i32
      %dma_wait3A_83 = tpu.memref_slice %arg3[%add3A, %dma_wait3A_81, %dma_wait3A_82] : memref<32x80x128xi32, #tpu.memory_space<hbm>> -> memref<1x80x128xi32, #tpu.memory_space<hbm>>
      %dma_wait3A_84 = tpu.memref_squeeze %dma_wait3A_83 : memref<1x80x128xi32, #tpu.memory_space<hbm>> -> memref<80x128xi32, #tpu.memory_space<hbm>>
      %dma_wait3A_85 = arith.constant 0 : i32
      %dma_wait3A_86 = arith.constant 0 : i32
      %dma_wait3A_87 = tpu.memref_slice %arg3[%add3A, %dma_wait3A_85, %dma_wait3A_86] : memref<32x80x128xi32, #tpu.memory_space<hbm>> -> memref<1x80x128xi32, #tpu.memory_space<hbm>>
      %dma_wait3A_88 = tpu.memref_squeeze %dma_wait3A_87 : memref<1x80x128xi32, #tpu.memory_space<hbm>> -> memref<80x128xi32, #tpu.memory_space<hbm>>
      tpu.wait_dma2 semaphore(%run_scoped3A : memref<!tpu.dma_semaphore, #tpu.memory_space<semaphore_mem>>) src(%dma_wait3A_88 : memref<80x128xi32, #tpu.memory_space<hbm>>) dst(%arg6 : memref<80x128xi32, #tpu.memory_space<vmem>>)
      tpu.yield
    }) : () -> ()
    "tpu.region"() ({
      %run_scoped3A = tpu.sem_alloc : memref<!tpu.dma_semaphore, #tpu.memory_space<semaphore_mem>>
      %dma_start3A_73 = arith.constant 0 : i32
      %dma_start3A_74 = arith.constant 0 : i32
      %dma_start3A_75 = tpu.memref_slice %arg4[%add3A, %dma_start3A_73, %dma_start3A_74] : memref<32x80x128xi32, #tpu.memory_space<hbm>> -> memref<1x80x128xi32, #tpu.memory_space<hbm>>
      %dma_start3A_76 = tpu.memref_squeeze %dma_start3A_75 : memref<1x80x128xi32, #tpu.memory_space<hbm>> -> memref<80x128xi32, #tpu.memory_space<hbm>>
      %dma_start3A_77 = arith.constant 0 : i32
      %dma_start3A_78 = arith.constant 0 : i32
      %dma_start3A_79 = tpu.memref_slice %arg4[%add3A, %dma_start3A_77, %dma_start3A_78] : memref<32x80x128xi32, #tpu.memory_space<hbm>> -> memref<1x80x128xi32, #tpu.memory_space<hbm>>
      %dma_start3A_80 = tpu.memref_squeeze %dma_start3A_79 : memref<1x80x128xi32, #tpu.memory_space<hbm>> -> memref<80x128xi32, #tpu.memory_space<hbm>>
      tpu.enqueue_dma source(%dma_start3A_80 : memref<80x128xi32, #tpu.memory_space<hbm>>) target(%arg7 : memref<80x128xi32, #tpu.memory_space<vmem>>) target_semaphore(%run_scoped3A : memref<!tpu.dma_semaphore, #tpu.memory_space<semaphore_mem>>)
      %dma_wait3A_81 = arith.constant 0 : i32
      %dma_wait3A_82 = arith.constant 0 : i32
      %dma_wait3A_83 = tpu.memref_slice %arg4[%add3A, %dma_wait3A_81, %dma_wait3A_82] : memref<32x80x128xi32, #tpu.memory_space<hbm>> -> memref<1x80x128xi32, #tpu.memory_space<hbm>>
      %dma_wait3A_84 = tpu.memref_squeeze %dma_wait3A_83 : memref<1x80x128xi32, #tpu.memory_space<hbm>> -> memref<80x128xi32, #tpu.memory_space<hbm>>
      %dma_wait3A_85 = arith.constant 0 : i32
      %dma_wait3A_86 = arith.constant 0 : i32
      %dma_wait3A_87 = tpu.memref_slice %arg4[%add3A, %dma_wait3A_85, %dma_wait3A_86] : memref<32x80x128xi32, #tpu.memory_space<hbm>> -> memref<1x80x128xi32, #tpu.memory_space<hbm>>
      %dma_wait3A_88 = tpu.memref_squeeze %dma_wait3A_87 : memref<1x80x128xi32, #tpu.memory_space<hbm>> -> memref<80x128xi32, #tpu.memory_space<hbm>>
      tpu.wait_dma2 semaphore(%run_scoped3A : memref<!tpu.dma_semaphore, #tpu.memory_space<semaphore_mem>>) src(%dma_wait3A_88 : memref<80x128xi32, #tpu.memory_space<hbm>>) dst(%arg7 : memref<80x128xi32, #tpu.memory_space<vmem>>)
      tpu.yield
    }) : () -> ()
    %mul3A_14 = arith.constant 625 : i32
    %mul3A_15 = arith.muli %arg1, %mul3A_14 : i32
    %mul3A_16 = arith.constant 625 : i32
    %mul3A_17 = arith.muli %arg1, %mul3A_16 : i32
    "tpu.region"() ({
      %run_scoped3A = tpu.sem_alloc : memref<!tpu.dma_semaphore, #tpu.memory_space<semaphore_mem>>
      %dma_start3A_73 = arith.constant 0 : i32
      %dma_start3A_74 = tpu.memref_slice %arg11[%mul3A_17, %dma_start3A_73] : memref<10000x32xf32, #tpu.memory_space<vmem_shared>> -> memref<625x32xf32, #tpu.memory_space<vmem_shared>>
      %dma_start3A_75 = arith.constant 0 : i32
      %dma_start3A_76 = tpu.memref_slice %arg2[%mul3A_15, %dma_start3A_75] : memref<10000x32xf32, #tpu.memory_space<hbm>> -> memref<625x32xf32, #tpu.memory_space<hbm>>
      tpu.enqueue_dma source(%dma_start3A_76 : memref<625x32xf32, #tpu.memory_space<hbm>>) target(%dma_start3A_74 : memref<625x32xf32, #tpu.memory_space<vmem_shared>>) target_semaphore(%run_scoped3A : memref<!tpu.dma_semaphore, #tpu.memory_space<semaphore_mem>>)
      %dma_wait3A_77 = arith.constant 0 : i32
      %dma_wait3A_78 = tpu.memref_slice %arg11[%mul3A_17, %dma_wait3A_77] : memref<10000x32xf32, #tpu.memory_space<vmem_shared>> -> memref<625x32xf32, #tpu.memory_space<vmem_shared>>
      %dma_wait3A_79 = arith.constant 0 : i32
      %dma_wait3A_80 = tpu.memref_slice %arg2[%mul3A_15, %dma_wait3A_79] : memref<10000x32xf32, #tpu.memory_space<hbm>> -> memref<625x32xf32, #tpu.memory_space<hbm>>
      tpu.wait_dma2 semaphore(%run_scoped3A : memref<!tpu.dma_semaphore, #tpu.memory_space<semaphore_mem>>) src(%dma_wait3A_80 : memref<625x32xf32, #tpu.memory_space<hbm>>) dst(%dma_wait3A_78 : memref<625x32xf32, #tpu.memory_space<vmem_shared>>)
      tpu.yield
    }) : () -> ()
    %barrier3A = arith.constant 0 : index
    tpu.barrier barrier_id(%barrier3A)
    %dma_start3A = arith.constant 0 : i32
    %dma_start3A_18 = arith.constant 0 : i32
    %dma_start3A_19 = arith.constant 0 : i32
    %dma_start3A_20 = arith.constant 0 : i32
    %dma_start3A_21 = tpu.memref_slice %arg8[%dma_start3A_18, %dma_start3A_19, %dma_start3A_20] : memref<2x128x32xf32, #tpu.memory_space<vmem>> -> memref<1x128x32xf32, #tpu.memory_space<vmem>>
    %dma_start3A_22 = tpu.memref_squeeze %dma_start3A_21 : memref<1x128x32xf32, #tpu.memory_space<vmem>> -> memref<128x32xf32, #tpu.memory_space<vmem>>
    %dma_start3A_23 = arith.constant 0 : i32
    %dma_start3A_24 = tpu.memref_slice %arg6[%dma_start3A, %dma_start3A_23] : memref<80x128xi32, #tpu.memory_space<vmem>> -> memref<1x128xi32, #tpu.memory_space<vmem>>
    %dma_start3A_25 = tpu.memref_squeeze %dma_start3A_24 : memref<1x128xi32, #tpu.memory_space<vmem>> -> memref<128xi32, #tpu.memory_space<vmem>>
    %dma_start3A_26 = arith.constant 0 : i32
    %dma_start3A_27 = arith.constant 0 : i32
    %dma_start3A_28 = tpu.memref_slice %arg11[%dma_start3A_26, %dma_start3A_27] : memref<10000x32xf32, #tpu.memory_space<vmem_shared>> -> memref<10000x32xf32, #tpu.memory_space<vmem_shared>>
    tpu.enqueue_indirect_dma source(%dma_start3A_28 : memref<10000x32xf32, #tpu.memory_space<vmem_shared>>) target(%dma_start3A_22 : memref<128x32xf32, #tpu.memory_space<vmem>>) offsets(%dma_start3A_25 : memref<128xi32, #tpu.memory_space<vmem>>) semaphore(%arg12 : memref<!tpu.dma_semaphore, #tpu.memory_space<semaphore_mem>>)
    %dma_start3A_29 = arith.constant 1 : i32
    %dma_start3A_30 = arith.constant 1 : i32
    %dma_start3A_31 = arith.constant 0 : i32
    %dma_start3A_32 = arith.constant 0 : i32
    %dma_start3A_33 = tpu.memref_slice %arg8[%dma_start3A_30, %dma_start3A_31, %dma_start3A_32] : memref<2x128x32xf32, #tpu.memory_space<vmem>> -> memref<1x128x32xf32, #tpu.memory_space<vmem>>
    %dma_start3A_34 = tpu.memref_squeeze %dma_start3A_33 : memref<1x128x32xf32, #tpu.memory_space<vmem>> -> memref<128x32xf32, #tpu.memory_space<vmem>>
    %dma_start3A_35 = arith.constant 0 : i32
    %dma_start3A_36 = tpu.memref_slice %arg6[%dma_start3A_29, %dma_start3A_35] : memref<80x128xi32, #tpu.memory_space<vmem>> -> memref<1x128xi32, #tpu.memory_space<vmem>>
    %dma_start3A_37 = tpu.memref_squeeze %dma_start3A_36 : memref<1x128xi32, #tpu.memory_space<vmem>> -> memref<128xi32, #tpu.memory_space<vmem>>
    %dma_start3A_38 = arith.constant 0 : i32
    %dma_start3A_39 = arith.constant 0 : i32
    %dma_start3A_40 = tpu.memref_slice %arg11[%dma_start3A_38, %dma_start3A_39] : memref<10000x32xf32, #tpu.memory_space<vmem_shared>> -> memref<10000x32xf32, #tpu.memory_space<vmem_shared>>
    tpu.enqueue_indirect_dma source(%dma_start3A_40 : memref<10000x32xf32, #tpu.memory_space<vmem_shared>>) target(%dma_start3A_34 : memref<128x32xf32, #tpu.memory_space<vmem>>) offsets(%dma_start3A_37 : memref<128xi32, #tpu.memory_space<vmem>>) semaphore(%arg13 : memref<!tpu.dma_semaphore, #tpu.memory_space<semaphore_mem>>)
    %scan3A_41 = arith.constant 0 : i32
    %scan3A_42 = arith.constant 0 : i32
    %scan3A_43 = arith.constant 40 : i32
    %scan3A_44 = arith.addi %scan3A_42, %scan3A_43 : i32
    %scan3A_45 = arith.constant 1 : i32
    scf.for %scan3A_73 = %scan3A_42 to %scan3A_44 step %scan3A_45  : i32 {
      %mul3A_74 = arith.constant 2 : i32
      %mul3A_75 = arith.muli %scan3A_73, %mul3A_74 : i32
      %add3A_76 = arith.constant 0 : i32
      %add3A_77 = arith.addi %mul3A_75, %add3A_76 : i32
      %dma_wait3A_78 = arith.constant 0 : i32
      %dma_wait3A_79 = arith.constant 0 : i32
      %dma_wait3A_80 = arith.constant 0 : i32
      %dma_wait3A_81 = tpu.memref_slice %arg8[%dma_wait3A_78, %dma_wait3A_79, %dma_wait3A_80] : memref<2x128x32xf32, #tpu.memory_space<vmem>> -> memref<1x128x32xf32, #tpu.memory_space<vmem>>
      %dma_wait3A_82 = tpu.memref_squeeze %dma_wait3A_81 : memref<1x128x32xf32, #tpu.memory_space<vmem>> -> memref<128x32xf32, #tpu.memory_space<vmem>>
      %dma_wait3A_83 = arith.constant 0 : i32
      %dma_wait3A_84 = tpu.memref_slice %arg6[%add3A_77, %dma_wait3A_83] : memref<80x128xi32, #tpu.memory_space<vmem>> -> memref<1x128xi32, #tpu.memory_space<vmem>>
      %dma_wait3A_85 = tpu.memref_squeeze %dma_wait3A_84 : memref<1x128xi32, #tpu.memory_space<vmem>> -> memref<128xi32, #tpu.memory_space<vmem>>
      %dma_wait3A_86 = arith.constant 0 : i32
      %dma_wait3A_87 = arith.constant 0 : i32
      %dma_wait3A_88 = tpu.memref_slice %arg11[%dma_wait3A_86, %dma_wait3A_87] : memref<10000x32xf32, #tpu.memory_space<vmem_shared>> -> memref<10000x32xf32, #tpu.memory_space<vmem_shared>>
      tpu.wait_indirect_dma semaphore(%arg12 : memref<!tpu.dma_semaphore, #tpu.memory_space<semaphore_mem>>) src(%dma_wait3A_88 : memref<10000x32xf32, #tpu.memory_space<vmem_shared>>) dst(%dma_wait3A_82 : memref<128x32xf32, #tpu.memory_space<vmem>>)
      %dma_start3A_89 = arith.constant 0 : i32
      %dma_start3A_90 = arith.constant 0 : i32
      %dma_start3A_91 = arith.constant 0 : i32
      %dma_start3A_92 = tpu.memref_slice %arg8[%dma_start3A_89, %dma_start3A_90, %dma_start3A_91] : memref<2x128x32xf32, #tpu.memory_space<vmem>> -> memref<1x128x32xf32, #tpu.memory_space<vmem>>
      %dma_start3A_93 = tpu.memref_squeeze %dma_start3A_92 : memref<1x128x32xf32, #tpu.memory_space<vmem>> -> memref<128x32xf32, #tpu.memory_space<vmem>>
      %dma_start3A_94 = arith.constant 0 : i32
      %dma_start3A_95 = tpu.memref_slice %arg7[%add3A_77, %dma_start3A_94] : memref<80x128xi32, #tpu.memory_space<vmem>> -> memref<1x128xi32, #tpu.memory_space<vmem>>
      %dma_start3A_96 = tpu.memref_squeeze %dma_start3A_95 : memref<1x128xi32, #tpu.memory_space<vmem>> -> memref<128xi32, #tpu.memory_space<vmem>>
      %dma_start3A_97 = arith.constant 0 : i32
      %dma_start3A_98 = arith.constant 0 : i32
      %dma_start3A_99 = tpu.memref_slice %arg10[%dma_start3A_97, %dma_start3A_98] : memref<12000x32xf32, #tpu.memory_space<vmem_shared>> -> memref<12000x32xf32, #tpu.memory_space<vmem_shared>>
      tpu.enqueue_indirect_dma source(%dma_start3A_93 : memref<128x32xf32, #tpu.memory_space<vmem>>) target(%dma_start3A_99 : memref<12000x32xf32, #tpu.memory_space<vmem_shared>>) offsets(%dma_start3A_96 : memref<128xi32, #tpu.memory_space<vmem>>) semaphore(%arg14 : memref<!tpu.dma_semaphore, #tpu.memory_space<semaphore_mem>>) {add = true}
      %sub3A = arith.constant 1 : i32
      %sub3A_100 = arith.subi %add3A_77, %sub3A : i32
      %ge3A = arith.constant 0 : i32
      %ge3A_101 = arith.cmpi sge, %sub3A_100, %ge3A : i32
      %add3A_102 = arith.constant 2 : i32
      %add3A_103 = arith.addi %sub3A_100, %add3A_102 : i32
      %lt3A = arith.constant 80 : i32
      %lt3A_104 = arith.cmpi slt, %add3A_103, %lt3A : i32
      %and3A = arith.andi %ge3A_101, %lt3A_104 : i1
      %convert_element_type3A = arith.extui %and3A : i1 to i32
      %cond3A = arith.constant 0 : i32
      %cond3A_105 = arith.cmpi ne, %convert_element_type3A, %cond3A : i32
      scf.if %cond3A_105 {
        %dma_wait3A_144 = arith.constant 1 : i32
        %dma_wait3A_145 = arith.constant 0 : i32
        %dma_wait3A_146 = arith.constant 0 : i32
        %dma_wait3A_147 = tpu.memref_slice %arg8[%dma_wait3A_144, %dma_wait3A_145, %dma_wait3A_146] : memref<2x128x32xf32, #tpu.memory_space<vmem>> -> memref<1x128x32xf32, #tpu.memory_space<vmem>>
        %dma_wait3A_148 = tpu.memref_squeeze %dma_wait3A_147 : memref<1x128x32xf32, #tpu.memory_space<vmem>> -> memref<128x32xf32, #tpu.memory_space<vmem>>
        %dma_wait3A_149 = arith.constant 0 : i32
        %dma_wait3A_150 = tpu.memref_slice %arg7[%sub3A_100, %dma_wait3A_149] : memref<80x128xi32, #tpu.memory_space<vmem>> -> memref<1x128xi32, #tpu.memory_space<vmem>>
        %dma_wait3A_151 = tpu.memref_squeeze %dma_wait3A_150 : memref<1x128xi32, #tpu.memory_space<vmem>> -> memref<128xi32, #tpu.memory_space<vmem>>
        %dma_wait3A_152 = arith.constant 0 : i32
        %dma_wait3A_153 = arith.constant 0 : i32
        %dma_wait3A_154 = tpu.memref_slice %arg10[%dma_wait3A_152, %dma_wait3A_153] : memref<12000x32xf32, #tpu.memory_space<vmem_shared>> -> memref<12000x32xf32, #tpu.memory_space<vmem_shared>>
        tpu.wait_indirect_dma semaphore(%arg15 : memref<!tpu.dma_semaphore, #tpu.memory_space<semaphore_mem>>) src(%dma_wait3A_148 : memref<128x32xf32, #tpu.memory_space<vmem>>) dst(%dma_wait3A_154 : memref<12000x32xf32, #tpu.memory_space<vmem_shared>>)
        %add3A_155 = arith.constant 2 : i32
        %add3A_156 = arith.addi %sub3A_100, %add3A_155 : i32
        %dma_start3A_157 = arith.constant 1 : i32
        %dma_start3A_158 = arith.constant 0 : i32
        %dma_start3A_159 = arith.constant 0 : i32
        %dma_start3A_160 = tpu.memref_slice %arg8[%dma_start3A_157, %dma_start3A_158, %dma_start3A_159] : memref<2x128x32xf32, #tpu.memory_space<vmem>> -> memref<1x128x32xf32, #tpu.memory_space<vmem>>
        %dma_start3A_161 = tpu.memref_squeeze %dma_start3A_160 : memref<1x128x32xf32, #tpu.memory_space<vmem>> -> memref<128x32xf32, #tpu.memory_space<vmem>>
        %dma_start3A_162 = arith.constant 0 : i32
        %dma_start3A_163 = tpu.memref_slice %arg6[%add3A_156, %dma_start3A_162] : memref<80x128xi32, #tpu.memory_space<vmem>> -> memref<1x128xi32, #tpu.memory_space<vmem>>
        %dma_start3A_164 = tpu.memref_squeeze %dma_start3A_163 : memref<1x128xi32, #tpu.memory_space<vmem>> -> memref<128xi32, #tpu.memory_space<vmem>>
        %dma_start3A_165 = arith.constant 0 : i32
        %dma_start3A_166 = arith.constant 0 : i32
        %dma_start3A_167 = tpu.memref_slice %arg11[%dma_start3A_165, %dma_start3A_166] : memref<10000x32xf32, #tpu.memory_space<vmem_shared>> -> memref<10000x32xf32, #tpu.memory_space<vmem_shared>>
        tpu.enqueue_indirect_dma source(%dma_start3A_167 : memref<10000x32xf32, #tpu.memory_space<vmem_shared>>) target(%dma_start3A_161 : memref<128x32xf32, #tpu.memory_space<vmem>>) offsets(%dma_start3A_164 : memref<128xi32, #tpu.memory_space<vmem>>) semaphore(%arg13 : memref<!tpu.dma_semaphore, #tpu.memory_space<semaphore_mem>>)
      } else {
      }
      %mul3A_106 = arith.constant 2 : i32
      %mul3A_107 = arith.muli %scan3A_73, %mul3A_106 : i32
      %add3A_108 = arith.constant 1 : i32
      %add3A_109 = arith.addi %mul3A_107, %add3A_108 : i32
      %dma_wait3A_110 = arith.constant 1 : i32
      %dma_wait3A_111 = arith.constant 0 : i32
      %dma_wait3A_112 = arith.constant 0 : i32
      %dma_wait3A_113 = tpu.memref_slice %arg8[%dma_wait3A_110, %dma_wait3A_111, %dma_wait3A_112] : memref<2x128x32xf32, #tpu.memory_space<vmem>> -> memref<1x128x32xf32, #tpu.memory_space<vmem>>
      %dma_wait3A_114 = tpu.memref_squeeze %dma_wait3A_113 : memref<1x128x32xf32, #tpu.memory_space<vmem>> -> memref<128x32xf32, #tpu.memory_space<vmem>>
      %dma_wait3A_115 = arith.constant 0 : i32
      %dma_wait3A_116 = tpu.memref_slice %arg6[%add3A_109, %dma_wait3A_115] : memref<80x128xi32, #tpu.memory_space<vmem>> -> memref<1x128xi32, #tpu.memory_space<vmem>>
      %dma_wait3A_117 = tpu.memref_squeeze %dma_wait3A_116 : memref<1x128xi32, #tpu.memory_space<vmem>> -> memref<128xi32, #tpu.memory_space<vmem>>
      %dma_wait3A_118 = arith.constant 0 : i32
      %dma_wait3A_119 = arith.constant 0 : i32
      %dma_wait3A_120 = tpu.memref_slice %arg11[%dma_wait3A_118, %dma_wait3A_119] : memref<10000x32xf32, #tpu.memory_space<vmem_shared>> -> memref<10000x32xf32, #tpu.memory_space<vmem_shared>>
      tpu.wait_indirect_dma semaphore(%arg13 : memref<!tpu.dma_semaphore, #tpu.memory_space<semaphore_mem>>) src(%dma_wait3A_120 : memref<10000x32xf32, #tpu.memory_space<vmem_shared>>) dst(%dma_wait3A_114 : memref<128x32xf32, #tpu.memory_space<vmem>>)
      %dma_start3A_121 = arith.constant 1 : i32
      %dma_start3A_122 = arith.constant 0 : i32
      %dma_start3A_123 = arith.constant 0 : i32
      %dma_start3A_124 = tpu.memref_slice %arg8[%dma_start3A_121, %dma_start3A_122, %dma_start3A_123] : memref<2x128x32xf32, #tpu.memory_space<vmem>> -> memref<1x128x32xf32, #tpu.memory_space<vmem>>
      %dma_start3A_125 = tpu.memref_squeeze %dma_start3A_124 : memref<1x128x32xf32, #tpu.memory_space<vmem>> -> memref<128x32xf32, #tpu.memory_space<vmem>>
      %dma_start3A_126 = arith.constant 0 : i32
      %dma_start3A_127 = tpu.memref_slice %arg7[%add3A_109, %dma_start3A_126] : memref<80x128xi32, #tpu.memory_space<vmem>> -> memref<1x128xi32, #tpu.memory_space<vmem>>
      %dma_start3A_128 = tpu.memref_squeeze %dma_start3A_127 : memref<1x128xi32, #tpu.memory_space<vmem>> -> memref<128xi32, #tpu.memory_space<vmem>>
      %dma_start3A_129 = arith.constant 0 : i32
      %dma_start3A_130 = arith.constant 0 : i32
      %dma_start3A_131 = tpu.memref_slice %arg10[%dma_start3A_129, %dma_start3A_130] : memref<12000x32xf32, #tpu.memory_space<vmem_shared>> -> memref<12000x32xf32, #tpu.memory_space<vmem_shared>>
      tpu.enqueue_indirect_dma source(%dma_start3A_125 : memref<128x32xf32, #tpu.memory_space<vmem>>) target(%dma_start3A_131 : memref<12000x32xf32, #tpu.memory_space<vmem_shared>>) offsets(%dma_start3A_128 : memref<128xi32, #tpu.memory_space<vmem>>) semaphore(%arg15 : memref<!tpu.dma_semaphore, #tpu.memory_space<semaphore_mem>>) {add = true}
      %sub3A_132 = arith.constant 1 : i32
      %sub3A_133 = arith.subi %add3A_109, %sub3A_132 : i32
      %ge3A_134 = arith.constant 0 : i32
      %ge3A_135 = arith.cmpi sge, %sub3A_133, %ge3A_134 : i32
      %add3A_136 = arith.constant 2 : i32
      %add3A_137 = arith.addi %sub3A_133, %add3A_136 : i32
      %lt3A_138 = arith.constant 80 : i32
      %lt3A_139 = arith.cmpi slt, %add3A_137, %lt3A_138 : i32
      %and3A_140 = arith.andi %ge3A_135, %lt3A_139 : i1
      %convert_element_type3A_141 = arith.extui %and3A_140 : i1 to i32
      %cond3A_142 = arith.constant 0 : i32
      %cond3A_143 = arith.cmpi ne, %convert_element_type3A_141, %cond3A_142 : i32
      scf.if %cond3A_143 {
        %dma_wait3A_144 = arith.constant 0 : i32
        %dma_wait3A_145 = arith.constant 0 : i32
        %dma_wait3A_146 = arith.constant 0 : i32
        %dma_wait3A_147 = tpu.memref_slice %arg8[%dma_wait3A_144, %dma_wait3A_145, %dma_wait3A_146] : memref<2x128x32xf32, #tpu.memory_space<vmem>> -> memref<1x128x32xf32, #tpu.memory_space<vmem>>
        %dma_wait3A_148 = tpu.memref_squeeze %dma_wait3A_147 : memref<1x128x32xf32, #tpu.memory_space<vmem>> -> memref<128x32xf32, #tpu.memory_space<vmem>>
        %dma_wait3A_149 = arith.constant 0 : i32
        %dma_wait3A_150 = tpu.memref_slice %arg7[%sub3A_133, %dma_wait3A_149] : memref<80x128xi32, #tpu.memory_space<vmem>> -> memref<1x128xi32, #tpu.memory_space<vmem>>
        %dma_wait3A_151 = tpu.memref_squeeze %dma_wait3A_150 : memref<1x128xi32, #tpu.memory_space<vmem>> -> memref<128xi32, #tpu.memory_space<vmem>>
        %dma_wait3A_152 = arith.constant 0 : i32
        %dma_wait3A_153 = arith.constant 0 : i32
        %dma_wait3A_154 = tpu.memref_slice %arg10[%dma_wait3A_152, %dma_wait3A_153] : memref<12000x32xf32, #tpu.memory_space<vmem_shared>> -> memref<12000x32xf32, #tpu.memory_space<vmem_shared>>
        tpu.wait_indirect_dma semaphore(%arg14 : memref<!tpu.dma_semaphore, #tpu.memory_space<semaphore_mem>>) src(%dma_wait3A_148 : memref<128x32xf32, #tpu.memory_space<vmem>>) dst(%dma_wait3A_154 : memref<12000x32xf32, #tpu.memory_space<vmem_shared>>)
        %add3A_155 = arith.constant 2 : i32
        %add3A_156 = arith.addi %sub3A_133, %add3A_155 : i32
        %dma_start3A_157 = arith.constant 0 : i32
        %dma_start3A_158 = arith.constant 0 : i32
        %dma_start3A_159 = arith.constant 0 : i32
        %dma_start3A_160 = tpu.memref_slice %arg8[%dma_start3A_157, %dma_start3A_158, %dma_start3A_159] : memref<2x128x32xf32, #tpu.memory_space<vmem>> -> memref<1x128x32xf32, #tpu.memory_space<vmem>>
        %dma_start3A_161 = tpu.memref_squeeze %dma_start3A_160 : memref<1x128x32xf32, #tpu.memory_space<vmem>> -> memref<128x32xf32, #tpu.memory_space<vmem>>
        %dma_start3A_162 = arith.constant 0 : i32
        %dma_start3A_163 = tpu.memref_slice %arg6[%add3A_156, %dma_start3A_162] : memref<80x128xi32, #tpu.memory_space<vmem>> -> memref<1x128xi32, #tpu.memory_space<vmem>>
        %dma_start3A_164 = tpu.memref_squeeze %dma_start3A_163 : memref<1x128xi32, #tpu.memory_space<vmem>> -> memref<128xi32, #tpu.memory_space<vmem>>
        %dma_start3A_165 = arith.constant 0 : i32
        %dma_start3A_166 = arith.constant 0 : i32
        %dma_start3A_167 = tpu.memref_slice %arg11[%dma_start3A_165, %dma_start3A_166] : memref<10000x32xf32, #tpu.memory_space<vmem_shared>> -> memref<10000x32xf32, #tpu.memory_space<vmem_shared>>
        tpu.enqueue_indirect_dma source(%dma_start3A_167 : memref<10000x32xf32, #tpu.memory_space<vmem_shared>>) target(%dma_start3A_161 : memref<128x32xf32, #tpu.memory_space<vmem>>) offsets(%dma_start3A_164 : memref<128xi32, #tpu.memory_space<vmem>>) semaphore(%arg12 : memref<!tpu.dma_semaphore, #tpu.memory_space<semaphore_mem>>)
      } else {
      }
    }
    %scan3A_46 = arith.constant 40 : i32
    %dma_wait3A = arith.constant 0 : i32
    %dma_wait3A_47 = arith.constant 78 : i32
    %dma_wait3A_48 = arith.constant 0 : i32
    %dma_wait3A_49 = arith.constant 0 : i32
    %dma_wait3A_50 = tpu.memref_slice %arg8[%dma_wait3A, %dma_wait3A_48, %dma_wait3A_49] : memref<2x128x32xf32, #tpu.memory_space<vmem>> -> memref<1x128x32xf32, #tpu.memory_space<vmem>>
    %dma_wait3A_51 = tpu.memref_squeeze %dma_wait3A_50 : memref<1x128x32xf32, #tpu.memory_space<vmem>> -> memref<128x32xf32, #tpu.memory_space<vmem>>
    %dma_wait3A_52 = arith.constant 0 : i32
    %dma_wait3A_53 = tpu.memref_slice %arg7[%dma_wait3A_47, %dma_wait3A_52] : memref<80x128xi32, #tpu.memory_space<vmem>> -> memref<1x128xi32, #tpu.memory_space<vmem>>
    %dma_wait3A_54 = tpu.memref_squeeze %dma_wait3A_53 : memref<1x128xi32, #tpu.memory_space<vmem>> -> memref<128xi32, #tpu.memory_space<vmem>>
    %dma_wait3A_55 = arith.constant 0 : i32
    %dma_wait3A_56 = arith.constant 0 : i32
    %dma_wait3A_57 = tpu.memref_slice %arg10[%dma_wait3A_55, %dma_wait3A_56] : memref<12000x32xf32, #tpu.memory_space<vmem_shared>> -> memref<12000x32xf32, #tpu.memory_space<vmem_shared>>
    tpu.wait_indirect_dma semaphore(%arg14 : memref<!tpu.dma_semaphore, #tpu.memory_space<semaphore_mem>>) src(%dma_wait3A_51 : memref<128x32xf32, #tpu.memory_space<vmem>>) dst(%dma_wait3A_57 : memref<12000x32xf32, #tpu.memory_space<vmem_shared>>)
    %dma_wait3A_58 = arith.constant 1 : i32
    %dma_wait3A_59 = arith.constant 79 : i32
    %dma_wait3A_60 = arith.constant 0 : i32
    %dma_wait3A_61 = arith.constant 0 : i32
    %dma_wait3A_62 = tpu.memref_slice %arg8[%dma_wait3A_58, %dma_wait3A_60, %dma_wait3A_61] : memref<2x128x32xf32, #tpu.memory_space<vmem>> -> memref<1x128x32xf32, #tpu.memory_space<vmem>>
    %dma_wait3A_63 = tpu.memref_squeeze %dma_wait3A_62 : memref<1x128x32xf32, #tpu.memory_space<vmem>> -> memref<128x32xf32, #tpu.memory_space<vmem>>
    %dma_wait3A_64 = arith.constant 0 : i32
    %dma_wait3A_65 = tpu.memref_slice %arg7[%dma_wait3A_59, %dma_wait3A_64] : memref<80x128xi32, #tpu.memory_space<vmem>> -> memref<1x128xi32, #tpu.memory_space<vmem>>
    %dma_wait3A_66 = tpu.memref_squeeze %dma_wait3A_65 : memref<1x128xi32, #tpu.memory_space<vmem>> -> memref<128xi32, #tpu.memory_space<vmem>>
    %dma_wait3A_67 = arith.constant 0 : i32
    %dma_wait3A_68 = arith.constant 0 : i32
    %dma_wait3A_69 = tpu.memref_slice %arg10[%dma_wait3A_67, %dma_wait3A_68] : memref<12000x32xf32, #tpu.memory_space<vmem_shared>> -> memref<12000x32xf32, #tpu.memory_space<vmem_shared>>
    tpu.wait_indirect_dma semaphore(%arg15 : memref<!tpu.dma_semaphore, #tpu.memory_space<semaphore_mem>>) src(%dma_wait3A_63 : memref<128x32xf32, #tpu.memory_space<vmem>>) dst(%dma_wait3A_69 : memref<12000x32xf32, #tpu.memory_space<vmem_shared>>)
    %barrier3A_70 = arith.constant 0 : index
    tpu.barrier barrier_id(%barrier3A_70)
    %mul3A_71 = arith.constant 32 : i32
    %mul3A_72 = arith.muli %arg0, %mul3A_71 : i32
    "tpu.region"() ({
      %run_scoped3A = tpu.sem_alloc : memref<!tpu.dma_semaphore, #tpu.memory_space<semaphore_mem>>
      %dma_start3A_73 = tpu.memref_slice %arg5[%mul3A_2, %mul3A_72] : memref<12000x128xf32, #tpu.memory_space<hbm>> -> memref<750x32xf32, #tpu.memory_space<hbm>>
      %dma_start3A_74 = arith.constant 0 : i32
      %dma_start3A_75 = tpu.memref_slice %arg10[%mul3A_2, %dma_start3A_74] : memref<12000x32xf32, #tpu.memory_space<vmem_shared>> -> memref<750x32xf32, #tpu.memory_space<vmem_shared>>
      tpu.enqueue_dma source(%dma_start3A_75 : memref<750x32xf32, #tpu.memory_space<vmem_shared>>) target(%dma_start3A_73 : memref<750x32xf32, #tpu.memory_space<hbm>>) target_semaphore(%run_scoped3A : memref<!tpu.dma_semaphore, #tpu.memory_space<semaphore_mem>>)
      %dma_wait3A_76 = tpu.memref_slice %arg5[%mul3A_2, %mul3A_72] : memref<12000x128xf32, #tpu.memory_space<hbm>> -> memref<750x32xf32, #tpu.memory_space<hbm>>
      %dma_wait3A_77 = arith.constant 0 : i32
      %dma_wait3A_78 = tpu.memref_slice %arg10[%mul3A_2, %dma_wait3A_77] : memref<12000x32xf32, #tpu.memory_space<vmem_shared>> -> memref<750x32xf32, #tpu.memory_space<vmem_shared>>
      tpu.wait_dma2 semaphore(%run_scoped3A : memref<!tpu.dma_semaphore, #tpu.memory_space<semaphore_mem>>) src(%dma_wait3A_78 : memref<750x32xf32, #tpu.memory_space<vmem_shared>>) dst(%dma_wait3A_76 : memref<750x32xf32, #tpu.memory_space<hbm>>)
      tpu.yield
    }) : () -> ()
    return
  }
}

module attributes {stable_mosaic.version = 14 : i64} {
  func.func @_proj_body(%arg0: i32, %arg1: memref<2000x128xf32, #tpu.memory_space<vmem>>, %arg2: memref<128x64xf32, #tpu.memory_space<vmem>>, %arg3: memref<2000x64xf32, #tpu.memory_space<vmem>>) attributes {dimension_semantics = [#tpu.dimension_semantics<arbitrary>], iteration_bounds = array<i64: 5>, scalar_prefetch = 0 : i64, scratch_operands = 0 : i64, tpu.core_type = #tpu.core_type<tc>, window_params = [{transform_indices = @transform_0, window_bounds = array<i64: 2000, 128>}, {pipeline_mode = #tpu.pipeline_mode<synchronous>, transform_indices = @transform_1, window_bounds = array<i64: 128, 64>}, {transform_indices = @transform_2, window_bounds = array<i64: 2000, 64>}]} {
    %get3A = arith.constant 0 : index
    %get3A_0 = arith.constant 0 : index
    %get3A_1 = vector.load %arg1[%get3A, %get3A_0] : memref<2000x128xf32, #tpu.memory_space<vmem>>, vector<2000x128xf32>
    %get3A_2 = arith.constant 0 : index
    %get3A_3 = arith.constant 0 : index
    %get3A_4 = vector.load %arg2[%get3A_2, %get3A_3] : memref<128x64xf32, #tpu.memory_space<vmem>>, vector<128x64xf32>
    %dot_general3A = arith.constant dense<0.000000e+00> : vector<2000x64xf32>
    %dot_general3A_5 = tpu.matmul %get3A_1, %get3A_4, %dot_general3A {dimension_numbers = #tpu.dot_dimension_numbers<[1], [0], [0], [1], [0, 0, 1, 1], [], []>, transpose_lhs_hint = false} : vector<2000x128xf32>, vector<128x64xf32>, vector<2000x64xf32> -> vector<2000x64xf32>
    %swap3A = arith.constant 0 : index
    %swap3A_6 = arith.constant 0 : index
    %swap3A_7 = vector.load %arg3[%swap3A, %swap3A_6] : memref<2000x64xf32, #tpu.memory_space<vmem>>, vector<2000x64xf32>
    tpu.vector_store %arg3[%swap3A, %swap3A_6], %dot_general3A_5 {strides = array<i32>} : memref<2000x64xf32, #tpu.memory_space<vmem>>, vector<2000x64xf32>,
    return
  }
  func.func @transform_0(%arg0: i32) -> (i32, i32) {
    %c0_i32 = arith.constant 0 : i32
    %c0_i32_0 = arith.constant 0 : i32
    return %arg0, %c0_i32 : i32, i32
  }
  func.func @transform_1(%arg0: i32) -> (i32, i32) {
    %c0_i32 = arith.constant 0 : i32
    %c0_i32_0 = arith.constant 0 : i32
    %c0_i32_1 = arith.constant 0 : i32
    return %c0_i32, %c0_i32_0 : i32, i32
  }
  func.func @transform_2(%arg0: i32) -> (i32, i32) {
    %c0_i32 = arith.constant 0 : i32
    %c0_i32_0 = arith.constant 0 : i32
    return %arg0, %c0_i32 : i32, i32
  }
}

module attributes {stable_mosaic.version = 14 : i64} {
  func.func @_layer0_body(%arg0: i32, %arg1: memref<1x1xf32, #tpu.memory_space<vmem>>, %arg2: memref<2000x64xf32, #tpu.memory_space<vmem>>, %arg3: memref<2000x128xf32, #tpu.memory_space<vmem>>, %arg4: memref<1x64xf32, #tpu.memory_space<vmem>>, %arg5: memref<64x64xf32, #tpu.memory_space<vmem>>, %arg6: memref<1x64xf32, #tpu.memory_space<vmem>>, %arg7: memref<64x32xf32, #tpu.memory_space<vmem>>, %arg8: memref<2000x32xf32, #tpu.memory_space<vmem>>) attributes {dimension_semantics = [#tpu.dimension_semantics<arbitrary>], iteration_bounds = array<i64: 5>, scalar_prefetch = 0 : i64, scratch_operands = 0 : i64, tpu.core_type = #tpu.core_type<tc>, window_params = [{pipeline_mode = #tpu.pipeline_mode<synchronous>, transform_indices = @transform_0, window_bounds = array<i64: 1, 1>}, {transform_indices = @transform_1, window_bounds = array<i64: 2000, 64>}, {transform_indices = @transform_2, window_bounds = array<i64: 2000, 128>}, {pipeline_mode = #tpu.pipeline_mode<synchronous>, transform_indices = @transform_3, window_bounds = array<i64: 1, 64>}, {pipeline_mode = #tpu.pipeline_mode<synchronous>, transform_indices = @transform_4, window_bounds = array<i64: 64, 64>}, {pipeline_mode = #tpu.pipeline_mode<synchronous>, transform_indices = @transform_5, window_bounds = array<i64: 1, 64>}, {pipeline_mode = #tpu.pipeline_mode<synchronous>, transform_indices = @transform_6, window_bounds = array<i64: 64, 32>}, {transform_indices = @transform_7, window_bounds = array<i64: 2000, 32>}]} {
    %get3A = arith.constant 0 : index
    %get3A_0 = arith.constant 0 : index
    %get3A_1 = vector.load %arg1[%get3A, %get3A_0] : memref<1x1xf32, #tpu.memory_space<vmem>>, vector<1x1xf32>
    %get3A_2 = arith.constant 0 : index
    %get3A_3 = arith.constant 0 : index
    %get3A_4 = vector.load %arg2[%get3A_2, %get3A_3] : memref<2000x64xf32, #tpu.memory_space<vmem>>, vector<2000x64xf32>
    %mul3A = vector.broadcast %get3A_1 : vector<1x1xf32> to vector<2000x64xf32>
    %mul3A_5 = arith.mulf %mul3A, %get3A_4 : vector<2000x64xf32>
    %get3A_6 = arith.constant 0 : index
    %get3A_7 = arith.constant 0 : index
    %get3A_8 = vector.load %arg3[%get3A_6, %get3A_7] : memref<2000x128xf32, #tpu.memory_space<vmem>>, vector<2000x64xf32>
    %add3A = arith.addf %mul3A_5, %get3A_8 : vector<2000x64xf32>
    %get3A_9 = arith.constant 0 : index
    %get3A_10 = arith.constant 64 : index
    %get3A_11 = vector.load %arg3[%get3A_9, %get3A_10] : memref<2000x128xf32, #tpu.memory_space<vmem>>, vector<2000x64xf32>
    %add3A_12 = arith.addf %add3A, %get3A_11 : vector<2000x64xf32>
    %get3A_13 = arith.constant 0 : index
    %get3A_14 = arith.constant 0 : index
    %get3A_15 = vector.load %arg4[%get3A_13, %get3A_14] : memref<1x64xf32, #tpu.memory_space<vmem>>, vector<1x64xf32>
    %add3A_16 = vector.broadcast %get3A_15 : vector<1x64xf32> to vector<2000x64xf32>
    %add3A_17 = arith.addf %add3A_12, %add3A_16 : vector<2000x64xf32>
    %max3A = arith.constant 0.000000e+00 : f32
    %max3A_18 = vector.broadcast %max3A : f32 to vector<2000x64xf32>
    %max3A_19 = arith.maximumf %add3A_17, %max3A_18 : vector<2000x64xf32>
    %get3A_20 = arith.constant 0 : index
    %get3A_21 = arith.constant 0 : index
    %get3A_22 = vector.load %arg5[%get3A_20, %get3A_21] : memref<64x64xf32, #tpu.memory_space<vmem>>, vector<64x64xf32>
    %dot_general3A = arith.constant dense<0.000000e+00> : vector<2000x64xf32>
    %dot_general3A_23 = tpu.matmul %max3A_19, %get3A_22, %dot_general3A {dimension_numbers = #tpu.dot_dimension_numbers<[1], [0], [0], [1], [0, 0, 1, 1], [], []>, transpose_lhs_hint = false} : vector<2000x64xf32>, vector<64x64xf32>, vector<2000x64xf32> -> vector<2000x64xf32>
    %get3A_24 = arith.constant 0 : index
    %get3A_25 = arith.constant 0 : index
    %get3A_26 = vector.load %arg6[%get3A_24, %get3A_25] : memref<1x64xf32, #tpu.memory_space<vmem>>, vector<1x64xf32>
    %add3A_27 = vector.broadcast %get3A_26 : vector<1x64xf32> to vector<2000x64xf32>
    %add3A_28 = arith.addf %dot_general3A_23, %add3A_27 : vector<2000x64xf32>
    %max3A_29 = arith.constant 0.000000e+00 : f32
    %max3A_30 = vector.broadcast %max3A_29 : f32 to vector<2000x64xf32>
    %max3A_31 = arith.maximumf %add3A_28, %max3A_30 : vector<2000x64xf32>
    %get3A_32 = arith.constant 0 : index
    %get3A_33 = arith.constant 0 : index
    %get3A_34 = vector.load %arg7[%get3A_32, %get3A_33] : memref<64x32xf32, #tpu.memory_space<vmem>>, vector<64x32xf32>
    %dot_general3A_35 = arith.constant dense<0.000000e+00> : vector<2000x32xf32>
    %dot_general3A_36 = tpu.matmul %max3A_31, %get3A_34, %dot_general3A_35 {dimension_numbers = #tpu.dot_dimension_numbers<[1], [0], [0], [1], [0, 0, 1, 1], [], []>, transpose_lhs_hint = false} : vector<2000x64xf32>, vector<64x32xf32>, vector<2000x32xf32> -> vector<2000x32xf32>
    %swap3A = arith.constant 0 : index
    %swap3A_37 = arith.constant 0 : index
    %swap3A_38 = vector.load %arg8[%swap3A, %swap3A_37] : memref<2000x32xf32, #tpu.memory_space<vmem>>, vector<2000x32xf32>
    tpu.vector_store %arg8[%swap3A, %swap3A_37], %dot_general3A_36 {strides = array<i32>} : memref<2000x32xf32, #tpu.memory_space<vmem>>, vector<2000x32xf32>,
    return
  }
  func.func @transform_0(%arg0: i32) -> (i32, i32) {
    %c0_i32 = arith.constant 0 : i32
    %c0_i32_0 = arith.constant 0 : i32
    %c0_i32_1 = arith.constant 0 : i32
    return %c0_i32, %c0_i32_0 : i32, i32
  }
  func.func @transform_1(%arg0: i32) -> (i32, i32) {
    %c0_i32 = arith.constant 0 : i32
    %c0_i32_0 = arith.constant 0 : i32
    return %arg0, %c0_i32 : i32, i32
  }
  func.func @transform_2(%arg0: i32) -> (i32, i32) {
    %c0_i32 = arith.constant 0 : i32
    %c0_i32_0 = arith.constant 0 : i32
    return %arg0, %c0_i32 : i32, i32
  }
  func.func @transform_3(%arg0: i32) -> (i32, i32) {
    %c0_i32 = arith.constant 0 : i32
    %c0_i32_0 = arith.constant 0 : i32
    %c0_i32_1 = arith.constant 0 : i32
    return %c0_i32, %c0_i32_0 : i32, i32
  }
  func.func @transform_4(%arg0: i32) -> (i32, i32) {
    %c0_i32 = arith.constant 0 : i32
    %c0_i32_0 = arith.constant 0 : i32
    %c0_i32_1 = arith.constant 0 : i32
    return %c0_i32, %c0_i32_0 : i32, i32
  }
  func.func @transform_5(%arg0: i32) -> (i32, i32) {
    %c0_i32 = arith.constant 0 : i32
    %c0_i32_0 = arith.constant 0 : i32
    %c0_i32_1 = arith.constant 0 : i32
    return %c0_i32, %c0_i32_0 : i32, i32
  }
  func.func @transform_6(%arg0: i32) -> (i32, i32) {
    %c0_i32 = arith.constant 0 : i32
    %c0_i32_0 = arith.constant 0 : i32
    %c0_i32_1 = arith.constant 0 : i32
    return %c0_i32, %c0_i32_0 : i32, i32
  }
  func.func @transform_7(%arg0: i32) -> (i32, i32) {
    %c0_i32 = arith.constant 0 : i32
    %c0_i32_0 = arith.constant 0 : i32
    return %arg0, %c0_i32 : i32, i32
  }
}

module attributes {stable_mosaic.version = 14 : i64} {
  func.func @_layer1_body(%arg0: i32, %arg1: memref<1x1xf32, #tpu.memory_space<vmem>>, %arg2: memref<1x1xf32, #tpu.memory_space<vmem>>, %arg3: memref<2000x32xf32, #tpu.memory_space<vmem>>, %arg4: memref<2000x128xf32, #tpu.memory_space<vmem>>, %arg5: memref<1x32xf32, #tpu.memory_space<vmem>>, %arg6: memref<32x32xf32, #tpu.memory_space<vmem>>, %arg7: memref<1x32xf32, #tpu.memory_space<vmem>>, %arg8: memref<1x32xf32, #tpu.memory_space<vmem>>, %arg9: memref<1x32xf32, #tpu.memory_space<vmem>>) attributes {dimension_semantics = [#tpu.dimension_semantics<arbitrary>], iteration_bounds = array<i64: 5>, scalar_prefetch = 0 : i64, scratch_operands = 1 : i64, tpu.core_type = #tpu.core_type<tc>, window_params = [{pipeline_mode = #tpu.pipeline_mode<synchronous>, transform_indices = @transform_0, window_bounds = array<i64: 1, 1>}, {pipeline_mode = #tpu.pipeline_mode<synchronous>, transform_indices = @transform_1, window_bounds = array<i64: 1, 1>}, {transform_indices = @transform_2, window_bounds = array<i64: 2000, 32>}, {transform_indices = @transform_3, window_bounds = array<i64: 2000, 128>}, {pipeline_mode = #tpu.pipeline_mode<synchronous>, transform_indices = @transform_4, window_bounds = array<i64: 1, 32>}, {pipeline_mode = #tpu.pipeline_mode<synchronous>, transform_indices = @transform_5, window_bounds = array<i64: 32, 32>}, {pipeline_mode = #tpu.pipeline_mode<synchronous>, transform_indices = @transform_6, window_bounds = array<i64: 1, 32>}, {pipeline_mode = #tpu.pipeline_mode<synchronous>, transform_indices = @transform_7, window_bounds = array<i64: 1, 32>}]} {
    %eq3A = arith.constant 0 : i32
    %eq3A_0 = arith.cmpi eq, %arg0, %eq3A : i32
    %convert_element_type3A = arith.extui %eq3A_0 : i1 to i32
    %cond3A = arith.constant 0 : i32
    %cond3A_1 = arith.cmpi ne, %convert_element_type3A, %cond3A : i32
    scf.if %cond3A_1 {
      %broadcast_in_dim3A_34 = arith.constant 0.000000e+00 : f32
      %broadcast_in_dim3A_35 = vector.broadcast %broadcast_in_dim3A_34 : f32 to vector<1x32xf32>
      %swap3A_36 = arith.constant 0 : index
      %swap3A_37 = arith.constant 0 : index
      %swap3A_38 = vector.load %arg9[%swap3A_36, %swap3A_37] : memref<1x32xf32, #tpu.memory_space<vmem>>, vector<1x32xf32>
      tpu.vector_store %arg9[%swap3A_36, %swap3A_37], %broadcast_in_dim3A_35 {strides = array<i32>} : memref<1x32xf32, #tpu.memory_space<vmem>>, vector<1x32xf32>,
    } else {
    }
    %get3A = arith.constant 0 : index
    %get3A_2 = arith.constant 0 : index
    %get3A_3 = vector.load %arg2[%get3A, %get3A_2] : memref<1x1xf32, #tpu.memory_space<vmem>>, vector<1x1xf32>
    %get3A_4 = arith.constant 0 : index
    %get3A_5 = arith.constant 0 : index
    %get3A_6 = vector.load %arg3[%get3A_4, %get3A_5] : memref<2000x32xf32, #tpu.memory_space<vmem>>, vector<2000x32xf32>
    %mul3A = vector.broadcast %get3A_3 : vector<1x1xf32> to vector<2000x32xf32>
    %mul3A_7 = arith.mulf %mul3A, %get3A_6 : vector<2000x32xf32>
    %get3A_8 = arith.constant 0 : index
    %get3A_9 = arith.constant 0 : index
    %get3A_10 = vector.load %arg4[%get3A_8, %get3A_9] : memref<2000x128xf32, #tpu.memory_space<vmem>>, vector<2000x32xf32>
    %add3A = arith.addf %mul3A_7, %get3A_10 : vector<2000x32xf32>
    %get3A_11 = arith.constant 0 : index
    %get3A_12 = arith.constant 32 : index
    %get3A_13 = vector.load %arg4[%get3A_11, %get3A_12] : memref<2000x128xf32, #tpu.memory_space<vmem>>, vector<2000x32xf32>
    %add3A_14 = arith.addf %add3A, %get3A_13 : vector<2000x32xf32>
    %get3A_15 = arith.constant 0 : index
    %get3A_16 = arith.constant 0 : index
    %get3A_17 = vector.load %arg5[%get3A_15, %get3A_16] : memref<1x32xf32, #tpu.memory_space<vmem>>, vector<1x32xf32>
    %add3A_18 = vector.broadcast %get3A_17 : vector<1x32xf32> to vector<2000x32xf32>
    %add3A_19 = arith.addf %add3A_14, %add3A_18 : vector<2000x32xf32>
    %max3A = arith.constant 0.000000e+00 : f32
    %max3A_20 = vector.broadcast %max3A : f32 to vector<2000x32xf32>
    %max3A_21 = arith.maximumf %add3A_19, %max3A_20 : vector<2000x32xf32>
    %get3A_22 = arith.constant 0 : index
    %get3A_23 = arith.constant 0 : index
    %get3A_24 = vector.load %arg9[%get3A_22, %get3A_23] : memref<1x32xf32, #tpu.memory_space<vmem>>, vector<1x32xf32>
    %reduce_sum3A = arith.constant dense<0.000000e+00> : vector<32xf32>
    %reduce_sum3A_25 = vector.multi_reduction <add>, %max3A_21, %reduce_sum3A [0] : vector<2000x32xf32> to vector<32xf32>
    %broadcast_in_dim3A = vector.shape_cast %reduce_sum3A_25 : vector<32xf32> to vector<1x32xf32>
    %add3A_26 = arith.addf %get3A_24, %broadcast_in_dim3A : vector<1x32xf32>
    %swap3A = arith.constant 0 : index
    %swap3A_27 = arith.constant 0 : index
    %swap3A_28 = vector.load %arg9[%swap3A, %swap3A_27] : memref<1x32xf32, #tpu.memory_space<vmem>>, vector<1x32xf32>
    tpu.vector_store %arg9[%swap3A, %swap3A_27], %add3A_26 {strides = array<i32>} : memref<1x32xf32, #tpu.memory_space<vmem>>, vector<1x32xf32>,
    %eq3A_29 = arith.constant 4 : i32
    %eq3A_30 = arith.cmpi eq, %arg0, %eq3A_29 : i32
    %convert_element_type3A_31 = arith.extui %eq3A_30 : i1 to i32
    %cond3A_32 = arith.constant 0 : i32
    %cond3A_33 = arith.cmpi ne, %convert_element_type3A_31, %cond3A_32 : i32
    scf.if %cond3A_33 {
      %get3A_34 = arith.constant 0 : index
      %get3A_35 = arith.constant 0 : index
      %get3A_36 = vector.load %arg9[%get3A_34, %get3A_35] : memref<1x32xf32, #tpu.memory_space<vmem>>, vector<1x32xf32>
      %get3A_37 = arith.constant 0 : index
      %get3A_38 = arith.constant 0 : index
      %get3A_39 = vector.load %arg1[%get3A_37, %get3A_38] : memref<1x1xf32, #tpu.memory_space<vmem>>, vector<1x1xf32>
      %mul3A_40 = vector.broadcast %get3A_39 : vector<1x1xf32> to vector<1x32xf32>
      %mul3A_41 = arith.mulf %get3A_36, %mul3A_40 : vector<1x32xf32>
      %get3A_42 = arith.constant 0 : index
      %get3A_43 = arith.constant 0 : index
      %get3A_44 = vector.load %arg6[%get3A_42, %get3A_43] : memref<32x32xf32, #tpu.memory_space<vmem>>, vector<32x32xf32>
      %dot_general3A = arith.constant dense<0.000000e+00> : vector<1x32xf32>
      %dot_general3A_45 = tpu.matmul %mul3A_41, %get3A_44, %dot_general3A {dimension_numbers = #tpu.dot_dimension_numbers<[1], [0], [0], [1], [0, 0, 1, 1], [], []>, transpose_lhs_hint = false} : vector<1x32xf32>, vector<32x32xf32>, vector<1x32xf32> -> vector<1x32xf32>
      %get3A_46 = arith.constant 0 : index
      %get3A_47 = arith.constant 0 : index
      %get3A_48 = vector.load %arg7[%get3A_46, %get3A_47] : memref<1x32xf32, #tpu.memory_space<vmem>>, vector<1x32xf32>
      %add3A_49 = arith.addf %dot_general3A_45, %get3A_48 : vector<1x32xf32>
      %swap3A_50 = arith.constant 0 : index
      %swap3A_51 = arith.constant 0 : index
      %swap3A_52 = vector.load %arg8[%swap3A_50, %swap3A_51] : memref<1x32xf32, #tpu.memory_space<vmem>>, vector<1x32xf32>
      tpu.vector_store %arg8[%swap3A_50, %swap3A_51], %add3A_49 {strides = array<i32>} : memref<1x32xf32, #tpu.memory_space<vmem>>, vector<1x32xf32>,
    } else {
    }
    return
  }
  func.func @transform_0(%arg0: i32) -> (i32, i32) {
    %c0_i32 = arith.constant 0 : i32
    %c0_i32_0 = arith.constant 0 : i32
    %c0_i32_1 = arith.constant 0 : i32
    return %c0_i32, %c0_i32_0 : i32, i32
  }
  func.func @transform_1(%arg0: i32) -> (i32, i32) {
    %c0_i32 = arith.constant 0 : i32
    %c0_i32_0 = arith.constant 0 : i32
    %c0_i32_1 = arith.constant 0 : i32
    return %c0_i32, %c0_i32_0 : i32, i32
  }
  func.func @transform_2(%arg0: i32) -> (i32, i32) {
    %c0_i32 = arith.constant 0 : i32
    %c0_i32_0 = arith.constant 0 : i32
    return %arg0, %c0_i32 : i32, i32
  }
  func.func @transform_3(%arg0: i32) -> (i32, i32) {
    %c0_i32 = arith.constant 0 : i32
    %c0_i32_0 = arith.constant 0 : i32
    return %arg0, %c0_i32 : i32, i32
  }
  func.func @transform_4(%arg0: i32) -> (i32, i32) {
    %c0_i32 = arith.constant 0 : i32
    %c0_i32_0 = arith.constant 0 : i32
    %c0_i32_1 = arith.constant 0 : i32
    return %c0_i32, %c0_i32_0 : i32, i32
  }
  func.func @transform_5(%arg0: i32) -> (i32, i32) {
    %c0_i32 = arith.constant 0 : i32
    %c0_i32_0 = arith.constant 0 : i32
    %c0_i32_1 = arith.constant 0 : i32
    return %c0_i32, %c0_i32_0 : i32, i32
  }
  func.func @transform_6(%arg0: i32) -> (i32, i32) {
    %c0_i32 = arith.constant 0 : i32
    %c0_i32_0 = arith.constant 0 : i32
    %c0_i32_1 = arith.constant 0 : i32
    return %c0_i32, %c0_i32_0 : i32, i32
  }
  func.func @transform_7(%arg0: i32) -> (i32, i32) {
    %c0_i32 = arith.constant 0 : i32
    %c0_i32_0 = arith.constant 0 : i32
    %c0_i32_1 = arith.constant 0 : i32
    return %c0_i32, %c0_i32_0 : i32, i32
  }
}

</mosaic_0001>

<sc_bundles>
// kernel: kernel.10.cloned.1.call-start
scs
__scs_entry_jumppad:
0x0: {  	(pc) =	sbr.rel $0x88, $3  }
0x1: {  	(tag) =	ssettag $0x0;
	lr =	simm.s32 $0x1  }
0x2: {  	[smem:$0x3F91] =	sst lr;
	_ =	strace $0xD0000000  }
0x3: {  	_ = 	snop  }
0x4: {  	_ = 	snop  }
0x5: {  	_ = 	snop  }
0x6: {  	_ = 	snop  }
0x7: {  	_ = 	snop  }
__scs_overlays_trampoline_lowered:
0x8: {  	[smem:$0x3FA0] =	sst s0  }
0x9: {  	[smem:$0x3FA1] =	sst s1  }
0xa: {  	[smem:$0x3FA2] =	sst s2  }
0xb: {  	[smem:$0x3FA3] =	sst s3  }
0xc: {  	[smem:$0x3FA4] =	sst s4  }
0xd: {  	[smem:$0x3FA5] =	sst s5  }
0xe: {  	[smem:$0x3FA6] =	sst s6  }
0xf: {  	[smem:$0x3FA7] =	sst s7  }
0x10: {  	[smem:$0x3FA8] =	sst s8  }
0x11: {  	[smem:$0x3FA9] =	sst s9;
	s0 =	simm.s32 @!p0 $0x0  }
0x12: {  	s1 =	sld [smem:$0x3F8F];
	s0 =	simm.s32 @p0 $0x1  }
0x13: {  	[smem:$0x3FAA] =	sst s0;
	s0 =	simm.s32 @!p1 $0x0  }
0x14: {  	s2 =	sld [smem:$0x3F8E];
	s0 =	simm.s32 @p1 $0x1  }
0x15: {  	[smem:$0x3FAB] =	sst s0;
	s0 =	simm.s32 @!p2 $0x0  }
0x16: {  	s3 =	sld [smem:$0x3FDB];
	s0 =	simm.s32 @p2 $0x1  }
0x17: {  	s4 =	simm.s32 $0x1BF5;
	[smem:$0x3FAD] =	sst s0  }
0x18: {  	s0 =	sld [smem:$0x3F90];
	_ =	swait.ge [sflag:s4], $0x0  }
0x19: {  	s7 =	sld [smem:$0x3F91]  }
0x1a: {  	s8 =	sadd.s32 $0xFFFFE003, lr  }
0x1b: {  	s9 =	sadd.s32 $0xFFFFFEF7, lr;
	s5 =	simm.s32 $0xFFFFFFFF;
	p2 =	slt.u32 s8, $0xFFFFF086  }
0x1c: {  	p1 =	slt.u32 s9, $0xF7A;
	s5 =	simm.s32 @!p2 $0x0  }
0x1d: {  	s5 =	simm.s32 @p1 $0x1;
	p0 =	seq.s32 s7, s2  }
0x1e: {  	s7 =	smul.u32 @!p0 $0xF7A, s2;
	p2 =	seq.s32 @!p0 s5, $0x0  }
0x1f: {  	s9 =	smul.u32 $0xF7A, s1;
	s8 =	simm.s32 @!p0 $0x1BF5;
	p2 =	por !p2, p0  }
0x20: {  	[sflag:s8] =	ssyncset.s32 @!p0 $0xFFFFF086;
	s6 =	sadd.s32 @!p0 s3, s7;
	s7 =	simm.s32 @!p0 $0x108  }
0x21: {  	s3 =	sadd.s32 s3, s9;
	s6 =	sadd.s32 @!p0 $0x88, s6;
	s7 =	simm.s32 @p2 $0x1082  }
0x22: {  	[simem:s7], [sflag:s8] =	dma.local @!p0 [hbm:s6], $0xF7A  }
0x23: {  	s9 =	sor.u32 $0xD0000000, s2;
	s6 =	simm.s32 $0x108;
	_ =	swait.ge @!p0 [sflag:s8], $0x0  }
0x24: {  	s3 =	sadd.s32 $0x88, s3;
	s6 =	simm.s32 @!p1 $0x1082;
	[sflag:s4] =	ssyncset.s32 $0xFFFFF086  }
0x25: {  	[simem:s6], [sflag:s4] =	dma.local [hbm:s3], $0xF7A  }
0x26: {  	[smem:$0x3F91] =	sst s1;
	(tag) =	ssettag s2;
	_ =	strace s9  }
0x27: {  	s1 =	sld [smem:$0x3FA1]  }
0x28: {  	s2 =	sld [smem:$0x3FA2]  }
0x29: {  	s4 =	sld [smem:$0x3FA4]  }
0x2a: {  	p0 =	seq.s32 s5, $0x0;
	s5 =	sld [smem:$0x3FA5]  }
0x2b: {  	s6 =	sld [smem:$0x3FA6]  }
0x2c: {  	s7 =	sld [smem:$0x3FA7]  }
0x2d: {  	s3 =	simm.s32 $0x108;
	s8 =	sld [smem:$0x3FA8]  }
0x2e: {  	s3 =	simm.s32 @!p0 $0x1082;
	s9 =	sld [smem:$0x3FA9]  }
0x2f: {  	lr =	sadd.s32 s0, s3;
	s0 =	sld [smem:$0x3FA0]  }
0x30: {  	s3 =	sld [smem:$0x3FA3]  }
0x31: {  	[smem:$0x3FAC] =	sst s10  }
0x32: {  	s10 =	sld [smem:$0x3FAA];
	_ =	sdelay $0x3  }
0x33: {  	p0 =	seq.s32 s10, $0x1;
	s10 =	sld [smem:$0x3FAC];
	_ =	sdelay $0x3  }
0x34: {  	[smem:$0x3FAC] =	sst s10  }
0x35: {  	s10 =	sld [smem:$0x3FAB];
	_ =	sdelay $0x3  }
0x36: {  	p1 =	seq.s32 s10, $0x1;
	s10 =	sld [smem:$0x3FAC];
	_ =	sdelay $0x3  }
0x37: {  	[smem:$0x3FAC] =	sst s10  }
0x38: {  	s10 =	sld [smem:$0x3FAD]  }
0x39: {  	_ = 	snop;
	(pc) =	sbr.ind lr, $3  }
0x3a: {  	_ = 	snop  }
0x3b: {  	_ = 	snop  }
0x3c: {  	p2 =	seq.s32 s10, $0x1;
	s10 =	sld [smem:$0x3FAC]  }
0x3d: {  	_ =	shalt  }
0x3e: {  	_ =	shalt  }
0x3f: {  	_ =	shalt  }
0x40: {  	_ =	shalt  }
0x41: {  	_ =	shalt  }
0x42: {  	_ =	shalt  }
0x43: {  	_ =	shalt  }
0x44: {  	_ =	shalt  }
0x45: {  	_ =	shalt  }
0x46: {  	_ =	shalt  }
0x47: {  	_ =	shalt  }
0x48: {  	_ =	shalt  }
0x49: {  	_ =	shalt  }
0x4a: {  	_ =	shalt  }
0x4b: {  	_ =	shalt  }
0x4c: {  	_ =	shalt  }
0x4d: {  	_ =	shalt  }
0x4e: {  	_ =	shalt  }
0x4f: {  	_ =	shalt  }
0x50: {  	_ =	shalt  }
0x51: {  	_ =	shalt  }
0x52: {  	_ =	shalt  }
0x53: {  	_ =	shalt  }
0x54: {  	_ =	shalt  }
0x55: {  	_ =	shalt  }
0x56: {  	_ =	shalt  }
0x57: {  	_ =	shalt  }
0x58: {  	_ =	shalt  }
0x59: {  	_ =	shalt  }
0x5a: {  	_ =	shalt  }
0x5b: {  	_ =	shalt  }
0x5c: {  	_ =	shalt  }
0x5d: {  	_ =	shalt  }
0x5e: {  	_ =	shalt  }
0x5f: {  	_ =	shalt  }
0x60: {  	_ =	shalt  }
0x61: {  	_ =	shalt  }
0x62: {  	_ =	shalt  }
0x63: {  	_ =	shalt  }
0x64: {  	_ =	shalt  }
0x65: {  	_ =	shalt  }
0x66: {  	_ =	shalt  }
0x67: {  	_ =	shalt  }
0x68: {  	_ =	shalt  }
0x69: {  	_ =	shalt  }
0x6a: {  	_ =	shalt  }
0x6b: {  	_ =	shalt  }
0x6c: {  	_ =	shalt  }
0x6d: {  	_ =	shalt  }
0x6e: {  	_ =	shalt  }
0x6f: {  	_ =	shalt  }
0x70: {  	_ =	shalt  }
0x71: {  	_ =	shalt  }
0x72: {  	_ =	shalt  }
0x73: {  	_ =	shalt  }
0x74: {  	_ =	shalt  }
0x75: {  	_ =	shalt  }
0x76: {  	_ =	shalt  }
0x77: {  	_ =	shalt  }
0x78: {  	_ =	shalt  }
0x79: {  	_ =	shalt  }
0x7a: {  	_ =	shalt  }
0x7b: {  	_ =	shalt  }
0x7c: {  	_ =	shalt  }
0x7d: {  	_ =	shalt  }
0x7e: {  	_ =	shalt  }
0x7f: {  	_ =	shalt  }
0x80: {  	_ =	shalt  }
0x81: {  	_ =	shalt  }
0x82: {  	_ =	shalt  }
0x83: {  	_ =	shalt  }
0x84: {  	_ =	shalt  }
0x85: {  	_ =	shalt  }
0x86: {  	_ =	shalt  }
0x87: {  	_ =	shalt  }
.Lfunc_end0:
.L_simem_size_0:
called_computation.1_lowered:
.L_overlay_start_0:
0x88: {  	s2 =	sld [smem:$0x3FD9]  }
0x89: {  	s3 =	sld [smem:$0x3FFE];
	_ =	sdelay $0x1  }
0x8a: {  	s1 =	srdreg.scid  }
0x8b: {  	s0 =	sand.u32 $0x1, s1  }
0x8c: {  	s16 =	sshll.u32 s0, $0xA;
	s2 =	sadd.s32 s3, s2  }
0x8d: {  	s2 =	sadd.s32 s2, s16  }
0x8e: {  	[smem:$0x3FB8] =	sst s2  }
0x8f: {  	_ = 	snop  }
0x90: {  	(tm) =	ssettm $0x1  }
0x91: {  	s17 =	sld [smem:$0x3FFB];
	_ =	sdelay $0x3  }
0x92: {  	_ =	strace s17  }
0x93: {  	s2 =	sld [smem:$0x3FFC];
	_ =	sdelay $0x3  }
0x94: {  	_ =	strace s2  }
0x95: {  	s2 =	sld [smem:$0x3FFD];
	_ =	sdelay $0x3  }
0x96: {  	_ =	strace s2  }
0x97: {  	_ =	strace $0x8FFFFFFF  }
0x98: {  	s18 =	sld [smem:$0x3FDB];
	_ =	sdelay $0x1  }
0x99: {  	s19 =	simm.s32 $_scs_section_size  }
0x9a: {  	s4 =	simm.s32 $_size__tile_overlayer_lowered;
	s5 =	simm.s32 $_tile_overlayer_lowered  }
0x9b: {  	s22 =	simm.s32 $0x1BFF;
	s21 =	sshll.u32 s5, $0x1;
	s2 =	sadd.s32 s19, s18  }
0x9c: {  	s6 =	simm.s32 $0x0;
	s20 =	sshll.u32 s4, $0x1;
	s4 =	sadd.s32 s21, s2  }
0x9d: {  	[timem:s6], [sflag:s22] =	dma.local [hbm:s4], s20  }
0x9e: {  	_ =	swait.ge [sflag:s22], s20  }
0x9f: {  	s3 =	ssub.s32 $0x0, s20;
	[sflag:s22] =	ssyncset.done $0x0  }
0xa0: {  	[sflag:s22] =	ssyncadd.s32 s3;
	_ =	sdelay $0x1  }
0xa1: {  	s23 =	simm.s32 $0x1B8B  }
0xa2: {  	_ =	swait.ge [sflag:s23], $0x1  }
0xa3: {  	[sflag:s23] =	ssyncset.done $0x0  }
0xa4: {  	s25 =	simm.s32 $0x1B8E;
	s24 =	sld [smem:$0x3FFE];
	[sflag:s23] =	ssyncadd.s32 $0xFFFFFFFF  }
0xa5: {  	s26 =	simm.s32 $execute0_lowered;
	[smem:$0x3FD2] =	sst s25  }
0xa6: {  	s4 =	sshll.u32 s26, $0x1;
	_ =	strace $0x80000049;
	[dreg:$0x1] =	wrdreg $0xFFFFFFFF  }
0xa7: {  	s28 =	simm.s32 $_size_execute0_lowered;
	s2 =	sadd.s32 s2, s4;
	[dreg:$0x0] =	wrdreg $0x0  }
0xa8: {  	s4 =	sshll.u32 s28, $0x1;
	[dreg:$0x2] =	wrdreg s2  }
0xa9: {  	[dreg:$0x3] =	wrdreg s4  }
0xaa: {  	[dreg:$0x4] =	wrdreg $0xC0  }
0xab: {  	_ =	task [dreg:s6], $0x5FFFF  }
0xac: {  	[dreg:$0x1] =	wrdreg $0xFFFFFFFF  }
0xad: {  	[dreg:$0x0] =	wrdreg $0x60  }
0xae: {  	[dreg:$0x2] =	wrdreg s24  }
0xaf: {  	[dreg:$0x3] =	wrdreg $0x7FA00  }
0xb0: {  	[dreg:$0x4] =	wrdreg $0xDD600  }
0xb1: {  	[dreg:$0x5] =	wrdreg $0x9  }
0xb2: {  	_ =	task.clear_ibuf [dreg:s6], $0x6FFFF;
	_ =	strace $0x90000049  }
0xb3: {  	s29 =	simm.s32 $0x9;
	_ =	strace $0x8000004B  }
0xb4: {  	_ =	swait.ge [sflag:s29], $0x1  }
0xb5: {  	[sflag:s29] =	ssyncadd.s32 $0xFFFFFFFF  }
0xb6: {  	_ =	strace $0x9000004B  }
0xb7: {  	_ =	sfence  }
0xb8: {  	s30 =	sld [smem:$0x0];
	_ =	sdelay $0x2  }
0xb9: {  	s31 =	sshll.u32 s1, $0xD;
	s1 =	sshrl.u32 s1, $0x2  }
0xba: {  	s3 =	sand.u32 $0x4000, s31;
	s1 =	sadd.s32 s1, s30  }
0xbb: {  	s0 =	sor.u32 s3, s0;
	s1 =	sshll.u32 s1, $0x11  }
0xbc: {  	s0 =	sor.u32 s1, s0  }
0xbd: {  	s0 =	sadd.s32 $0x8F2B, s0  }
0xbe: {  	[sflag:s0] =	ssyncadd.remote.s32 $0x1  }
0xbf: {  	_ =	sfence.sel $0xFFFF  }
0xc0: {  	[dreg:$0x0] =	wrdreg $0xFFFFFFFF;
	(pc) =	sbr.abs _section_cstart, $3  }
0xc1: {  	[dreg:$0x1] =	wrdreg $0xFFFFFFFF  }
0xc2: {  	_ =	task.clear_ibuf [dreg:s6], $0x2FFFF;
	_ =	strace $0x9FFFFFFF  }
0xc3: {  	(tm) =	ssettm $0x7FFFFFFF  }
tec
execute0_lowered:
.L_overlay_start_1:
0x0: {  	(tag) =	ssettag $0x1  }
0x1: {  	s0 =	rddreg [dreg:$0x0]  }
0x2: {  	s1 =	rddreg [dreg:$0x1]  }
0x3: {  	s3 =	rddreg [dreg:$0x2]  }
0x4: {  	s2 =	srdreg.scid;
	s4 =	simm.s32 $0x0;
	s6 =	stileid.u32  }
0x5: {  	s16 =	simm.s32 $0x7000;
	s17 =	simm.s32 $0x5;
	s18 =	simm.s32 $0x2800  }
0x6: {  	s20 =	simm.s32 $0x80;
	s21 =	simm.s32 $0x5000;
	s29 =	simm.s32 $0x4  }
0x7: {  	s30 =	simm.s32 $0x10;
	s31 =	simm.s32 $0x0;
	s7 =	smul.u32 $0x4E20, s6  }
0x8: {  	s2 =	sand.u32 $0x1, s2;
	[smem:$0x7FF] =	sst s4;
	s8 =	smul.u32 $0x17700, s6  }
0x9: {  	s5 =	sshll.u32 s2, $0x4;
	_ =	strace $0x8000004A;
	s9 =	sshll.u32 s2, $0x5  }
0xa: {  	s2 =	ssub.s32 $0x2, s2;
	s5 =	sor.u32 s6, s5;
	s22 =	sshrl.u32 s7, $0x3  }
0xb: {  	s23 =	sor.u32 s9, s8;
	s26 =	sshrl.u32 s2, $0x1;
	s19 =	sadd.s32 s7, s3  }
0xc: {  	s28 =	sshrl.u32 s8, $0x2;
	s5 =	smul.u32 $0x500, s5;
	s10 =	sadd.s32 s22, s0  }
0xd: {  	s25 =	sshrl.u32 s23, $0x3;
	s2 =	ssub.s32 s2, s26;
	s9 =	sadd.s32 s28, s1  }
0xe: {  	s19 =	sshrl.u32 s19, $0x3;
	s22 =	simm.s32 $0x6000;
	s23 =	simm.s32 $0x1  }
.Ltmp0:
0xf: {  	s26 =	simm.s32 $0x3;
	s7 =	sadd.s32 $0x2000, s10;
	(pc) =	sbr.rel .LBB2_1-.Ltmp0, $4  }
0x10: {  	s10 =	smax.u32 s2, $0x1;
	s11 =	sadd.s32 $0xFA0, s9;
	s12 =	sadd.s32 $0x1F40, s9  }
0x11: {  	s13 =	sadd.s32 $0x2EE0, s9;
	s14 =	sadd.s32 $0x3E80, s9;
	s24 =	sadd.s32 s5, s0  }
0x12: {  	s15 =	sadd.s32 $0x4E20, s9;
	s0 =	sadd.s32 s25, s0;
	s5 =	sadd.s32 $0x1FA00, s24  }
0x13: {  	v0 =	vimm.f32 $0.0e+00;
	s6 =	sadd.s32 $0x15A00, s24;
	s8 =	sadd.s32 $0x29A00, s0;
	s24 =	simm.s32 $0x2  }
.LBB2_6:
0x14: {  	_ =	swait.ge [sflag:s29], $0x1000  }
0x15: {  	s31 =	sadd.s32 $0x1, s31;
	[sflag:s29] =	ssyncset.done $0x0  }
0x16: {  	p0 =	sne.s32 s31, s10;
	[sflag:s29] =	ssyncadd.s32 $0xFFFFF000  }
.Ltmp1:
0x17: {  	s2 =	sshrl.u32 s9, $0x3;
	[bflag:$0x0] =	sbarrier.arrive $0xFFFF;
	(pc) =	sbr.rel @!p0 .LBB2_7-.Ltmp1, $4  }
0x18: {  	[hbm:s8@s30], [sflag:s0] =	dma.strided [spmem:s2@s29], $0xBB8, s23, $0x4   }
0x19: {  	_ =	swait.ge [sflag:s17], $0xBB8  }
0x1a: {  	[sflag:s17] =	ssyncset.done $0x0  }
0x1b: {  	[sflag:s17] =	ssyncadd.s32 $0xFFFFF448  }
.LBB2_1:
0x1c: {  	s0 =	simm.s32 $0x80;
	s2 =	simm.s32 $0x0  }
.LBB2_2:
0x1d: {  	p0 =	sne.s32 s0, $0x3E00;
	[tilespmem:s2+$0x7000] =	vst v0;
	s25 =	smov.u32 s0;
	s0 =	sadd.s32 $0x80, s0  }
.Ltmp2:
0x1e: {  	[tilespmem:s2+$0x7010] =	vst v0;
	(pc) =	sbr.rel @p0 .LBB2_2-.Ltmp2, $2  }
0x1f: {  	_ =	sdelay $0x2  }
0x20: {  	s2 =	sshra.s32 s25, $0x2  }
0x21: {  	[tilespmem:s2+$0x7000] =	vst v0  }
0x22: {  	[tilespmem:s2+$0x7010] =	vst v0  }
0x23: {  	[spmem:s9] =	stream.linear.scatter [tilespmem:s16], [sflag:$0x5], $0xFA0, $0x38;
	[tilespmem:$0x12B80] =	vst v63  }
0x24: {  	_ =	swait.ge [sflag:s17], $0xFA0  }
0x25: {  	[sflag:s17] =	ssyncset.done $0x0  }
0x26: {  	[sflag:s17] =	ssyncadd.s32 $0xFFFFF060  }
0x27: {  	[spmem:s11] =	stream.linear.scatter [tilespmem:s16], [sflag:$0x5], $0xFA0, $0x38;
	[tilespmem:$0x12B80] =	vst v63  }
0x28: {  	_ =	swait.ge [sflag:s17], $0xFA0  }
0x29: {  	[sflag:s17] =	ssyncset.done $0x0  }
0x2a: {  	[sflag:s17] =	ssyncadd.s32 $0xFFFFF060  }
0x2b: {  	[spmem:s12] =	stream.linear.scatter [tilespmem:s16], [sflag:$0x5], $0xFA0, $0x38;
	[tilespmem:$0x12B80] =	vst v63  }
0x2c: {  	_ =	swait.ge [sflag:s17], $0xFA0  }
0x2d: {  	[sflag:s17] =	ssyncset.done $0x0  }
0x2e: {  	[sflag:s17] =	ssyncadd.s32 $0xFFFFF060  }
0x2f: {  	[spmem:s13] =	stream.linear.scatter [tilespmem:s16], [sflag:$0x5], $0xFA0, $0x38;
	[tilespmem:$0x12B80] =	vst v63  }
0x30: {  	_ =	swait.ge [sflag:s17], $0xFA0  }
0x31: {  	[sflag:s17] =	ssyncset.done $0x0  }
0x32: {  	[sflag:s17] =	ssyncadd.s32 $0xFFFFF060  }
0x33: {  	[spmem:s14] =	stream.linear.scatter [tilespmem:s16], [sflag:$0x5], $0xFA0, $0x38;
	[tilespmem:$0x12B80] =	vst v63  }
0x34: {  	_ =	swait.ge [sflag:s17], $0xFA0  }
0x35: {  	[sflag:s17] =	ssyncset.done $0x0  }
0x36: {  	[sflag:s17] =	ssyncadd.s32 $0xFFFFF060  }
0x37: {  	[spmem:s15] =	stream.linear.scatter [tilespmem:s16], [sflag:$0x5], $0xFA0, $0x38;
	[tilespmem:$0x12B80] =	vst v63  }
0x38: {  	_ =	swait.ge [sflag:s17], $0xFA0  }
0x39: {  	[sflag:s17] =	ssyncset.done $0x0  }
0x3a: {  	[sflag:s17] =	ssyncadd.s32 $0xFFFFF060  }
0x3b: {  	[tilespmem:s4], [sflag:$0x5] =	stream.linear.gather [hbm4b:s5+s4], $0x2800, $0x38;
	[tilespmem:$0x12B80] =	vst v63  }
0x3c: {  	_ =	swait.ge [sflag:s17], $0x2800  }
0x3d: {  	[sflag:s17] =	ssyncset.done $0x0  }
0x3e: {  	[sflag:s17] =	ssyncadd.s32 $0xFFFFD800  }
0x3f: {  	[tilespmem:s18], [sflag:$0x5] =	stream.linear.gather [hbm4b:s6+s4], $0x2800, $0x38;
	[tilespmem:$0x12B80] =	vst v63  }
0x40: {  	s0 =	stileid.u32;
	_ =	swait.ge [sflag:s17], $0x2800  }
0x41: {  	s0 =	sshll.u32 s0, $0x6;
	[sflag:s17] =	ssyncset.done $0x0  }
0x42: {  	s0 =	sor.u32 $0x1C05, s0;
	[sflag:s17] =	ssyncadd.s32 $0xFFFFD800  }
0x43: {  	[spmem:s19], [sflag:s0] =	dma.local [hbm:s7], $0x9C4  }
0x44: {  	_ =	swait.ge [sflag:s17], $0x9C4  }
0x45: {  	[sflag:s17] =	ssyncset.done $0x0  }
0x46: {  	[sflag:s17] =	ssyncadd.s32 $0xFFFFF63C  }
0x47: {  	[bflag:$0x0] =	sbarrier.arrive $0xFFFF  }
0x48: {  	[tilespmem:s21], [sflag:$0x1] =	stream.indirect.gather [spmem:s3], $0x20, s4, s20, $0xb8;
	[tilespmem:$0x12B80] =	vst v63  }
0x49: {  	_ = 	snop  }
0x4a: {  	[tilespmem:s22], [sflag:$0x2] =	stream.indirect.gather [spmem:s3], $0x20, s20, s20, $0xb8;
	[tilespmem:$0x12B80] =	vst v63  }
0x4b: {  	_ =	swait.ge [sflag:s23], $0x1000  }
0x4c: {  	[sflag:s23] =	ssyncset.done $0x0  }
0x4d: {  	[sflag:s23] =	ssyncadd.s32 $0xFFFFF000  }
0x4e: {  	[spmem:s1] =	stream.indirect.scatter.add.f32 [tilespmem:s21], [sflag:$0x3], $0x20, s18, s20, $0xb8;
	[tilespmem:$0x12B80] =	vst v63  }
0x4f: {  	_ =	swait.ge [sflag:s24], $0x1000  }
0x50: {  	[sflag:s24] =	ssyncset.done $0x0  }
0x51: {  	s25 =	simm.s32 $0x2880;
	[sflag:s24] =	ssyncadd.s32 $0xFFFFF000  }
0x52: {  	[spmem:s1] =	stream.indirect.scatter.add.f32 [tilespmem:s22], [sflag:$0x4], $0x20, s25, s20, $0xb8;
	[tilespmem:$0x12B80] =	vst v63  }
0x53: {  	_ =	swait.ge [sflag:s26], $0x1000  }
0x54: {  	[sflag:s26] =	ssyncset.done $0x0  }
0x55: {  	s28 =	simm.s32 $0x100;
	s2 =	simm.s32 $0xFFFF6800;
	[sflag:s26] =	ssyncadd.s32 $0xFFFFF000  }
0x56: {  	[tilespmem:s21], [sflag:$0x1] =	stream.indirect.gather [spmem:s3], $0x20, s28, s20, $0xb8;
	[tilespmem:$0x12B80] =	vst v63  }
.LBB2_4:
0x57: {  	_ =	swait.ge [sflag:s23], $0x1000  }
0x58: {  	s25 =	sshra.s32 s2, $0x2;
	[sflag:s23] =	ssyncset.done $0x0  }
0x59: {  	s28 =	sadd.s32 $0x4F00, s25;
	[sflag:s23] =	ssyncadd.s32 $0xFFFFF000  }
0x5a: {  	[spmem:s1] =	stream.indirect.scatter.add.f32 [tilespmem:s21], [sflag:$0x3], $0x20, s28, s20, $0xb8;
	[tilespmem:$0x12B80] =	vst v63  }
0x5b: {  	_ =	swait.ge [sflag:s29], $0x1000  }
0x5c: {  	[sflag:s29] =	ssyncset.done $0x0  }
0x5d: {  	s28 =	sadd.s32 $0x2780, s25;
	[sflag:s29] =	ssyncadd.s32 $0xFFFFF000  }
0x5e: {  	[tilespmem:s22], [sflag:$0x2] =	stream.indirect.gather [spmem:s3], $0x20, s28, s20, $0xb8;
	[tilespmem:$0x12B80] =	vst v63  }
0x5f: {  	_ =	swait.ge [sflag:s24], $0x1000  }
0x60: {  	p0 =	seq.s32 s2, $0x0;
	[sflag:s24] =	ssyncset.done $0x0  }
.Ltmp3:
0x61: {  	s28 =	sadd.s32 $0x4F80, s25;
	[sflag:s24] =	ssyncadd.s32 $0xFFFFF000;
	(pc) =	sbr.rel @p0 .LBB2_6-.Ltmp3, $4  }
0x62: {  	[spmem:s1] =	stream.indirect.scatter.add.f32 [tilespmem:s22], [sflag:$0x4], $0x20, s28, s20, $0xb8;
	[tilespmem:$0x12B80] =	vst v63  }
0x63: {  	_ =	swait.ge [sflag:s26], $0x1000  }
0x64: {  	[sflag:s26] =	ssyncset.done $0x0  }
0x65: {  	[sflag:s26] =	ssyncadd.s32 $0xFFFFF000  }
.Ltmp4:
0x66: {  	(pc) =	sbr.rel .LBB2_4-.Ltmp4, $3  }
0x67: {  	_ =	sdelay $0x1  }
0x68: {  	s25 =	sadd.s32 $0x2800, s25;
	s2 =	sadd.s32 $0x400, s2  }
0x69: {  	[tilespmem:s21], [sflag:$0x1] =	stream.indirect.gather [spmem:s3], $0x20, s25, s20, $0xb8;
	[tilespmem:$0x12B80] =	vst v63  }
.LBB2_7:
0x6a: {  	_ =	sfence.sel $0x180000  }
0x6b: {  	[bflag:$0x0] =	sbarrier.arrive $0xFFFF  }
0x6c: {  	_ =	strace $0x9000004A  }
0x6d: {  	s0 =	stileid.u32;
	[bflag:$0x2] =	sbarrier.arrive $0xFFFF  }
0x6e: {  	p0 =	sne.s32 s0, $0x0;
	s0 =	rddreg [dreg:$0x3]  }
0x6f: {  	s0 =	sadd.s32 @!p0 $0x100000, s0  }
0x70: {  	[sflag:s0] =	ssyncadd.tile.s32 @!p0 $0x1;
	_ =	shalt  }
.Lfunc_end2:
_tile_overlayer_lowered:
.L_overlay_start_2:
0x71: {  	(tag) =	ssettag $0x2  }
0x72: {  	s0 =	rddreg [dreg:$0x0];
	s2 =	stileid.u32  }
0x73: {  	s1 =	rddreg [dreg:$0x1];
	p0 =	sne.s32 s2, $0x0  }
0x74: {  	s3 =	rddreg [dreg:$0x2];
	[bflag:$0x3] =	sbarrier.arrive $0xFFFF;
	s2 =	simm.s32 @!p0 $0x1C05  }
0x75: {  	[timem:s3], [sflag:s2] =	dma.local @!p0 [hbm:s0], s1  }
0x76: {  	s0 =	simm.s32 @!p0 $0x5  }
0x77: {  	_ =	swait.ge @!p0 [sflag:s0], s1  }
0x78: {  	s1 =	ssub.s32 @!p0 $0x0, s1;
	[sflag:s0] =	ssyncset.done @!p0 $0x0  }
0x79: {  	[sflag:s0] =	ssyncadd.s32 @!p0 s1  }
0x7a: {  	[bflag:$0x3] =	sbarrier.arrive $0xFFFF  }
0x7b: {  	_ =	shalt  }

// kernel: kernel.7.cloned.1.call-start
scs
__scs_entry_jumppad:
0x0: {  	(pc) =	sbr.rel $0x88, $3  }
0x1: {  	(tag) =	ssettag $0x0;
	lr =	simm.s32 $0x1  }
0x2: {  	[smem:$0x3F91] =	sst lr;
	_ =	strace $0xD0000000  }
0x3: {  	_ = 	snop  }
0x4: {  	_ = 	snop  }
0x5: {  	_ = 	snop  }
0x6: {  	_ = 	snop  }
0x7: {  	_ = 	snop  }
__scs_overlays_trampoline_lowered:
0x8: {  	[smem:$0x3FA0] =	sst s0  }
0x9: {  	[smem:$0x3FA1] =	sst s1  }
0xa: {  	[smem:$0x3FA2] =	sst s2  }
0xb: {  	[smem:$0x3FA3] =	sst s3  }
0xc: {  	[smem:$0x3FA4] =	sst s4  }
0xd: {  	[smem:$0x3FA5] =	sst s5  }
0xe: {  	[smem:$0x3FA6] =	sst s6  }
0xf: {  	[smem:$0x3FA7] =	sst s7  }
0x10: {  	[smem:$0x3FA8] =	sst s8  }
0x11: {  	[smem:$0x3FA9] =	sst s9;
	s0 =	simm.s32 @!p0 $0x0  }
0x12: {  	s1 =	sld [smem:$0x3F8F];
	s0 =	simm.s32 @p0 $0x1  }
0x13: {  	[smem:$0x3FAA] =	sst s0;
	s0 =	simm.s32 @!p1 $0x0  }
0x14: {  	s2 =	sld [smem:$0x3F8E];
	s0 =	simm.s32 @p1 $0x1  }
0x15: {  	[smem:$0x3FAB] =	sst s0;
	s0 =	simm.s32 @!p2 $0x0  }
0x16: {  	s3 =	sld [smem:$0x3FDB];
	s0 =	simm.s32 @p2 $0x1  }
0x17: {  	s4 =	simm.s32 $0x1BF5;
	[smem:$0x3FAD] =	sst s0  }
0x18: {  	s0 =	sld [smem:$0x3F90];
	_ =	swait.ge [sflag:s4], $0x0  }
0x19: {  	s7 =	sld [smem:$0x3F91]  }
0x1a: {  	s8 =	sadd.s32 $0xFFFFE003, lr  }
0x1b: {  	s9 =	sadd.s32 $0xFFFFFEF7, lr;
	s5 =	simm.s32 $0xFFFFFFFF;
	p2 =	slt.u32 s8, $0xFFFFF086  }
0x1c: {  	p1 =	slt.u32 s9, $0xF7A;
	s5 =	simm.s32 @!p2 $0x0  }
0x1d: {  	s5 =	simm.s32 @p1 $0x1;
	p0 =	seq.s32 s7, s2  }
0x1e: {  	s7 =	smul.u32 @!p0 $0xF7A, s2;
	p2 =	seq.s32 @!p0 s5, $0x0  }
0x1f: {  	s9 =	smul.u32 $0xF7A, s1;
	s8 =	simm.s32 @!p0 $0x1BF5;
	p2 =	por !p2, p0  }
0x20: {  	[sflag:s8] =	ssyncset.s32 @!p0 $0xFFFFF086;
	s6 =	sadd.s32 @!p0 s3, s7;
	s7 =	simm.s32 @!p0 $0x108  }
0x21: {  	s3 =	sadd.s32 s3, s9;
	s6 =	sadd.s32 @!p0 $0x88, s6;
	s7 =	simm.s32 @p2 $0x1082  }
0x22: {  	[simem:s7], [sflag:s8] =	dma.local @!p0 [hbm:s6], $0xF7A  }
0x23: {  	s9 =	sor.u32 $0xD0000000, s2;
	s6 =	simm.s32 $0x108;
	_ =	swait.ge @!p0 [sflag:s8], $0x0  }
0x24: {  	s3 =	sadd.s32 $0x88, s3;
	s6 =	simm.s32 @!p1 $0x1082;
	[sflag:s4] =	ssyncset.s32 $0xFFFFF086  }
0x25: {  	[simem:s6], [sflag:s4] =	dma.local [hbm:s3], $0xF7A  }
0x26: {  	[smem:$0x3F91] =	sst s1;
	(tag) =	ssettag s2;
	_ =	strace s9  }
0x27: {  	s1 =	sld [smem:$0x3FA1]  }
0x28: {  	s2 =	sld [smem:$0x3FA2]  }
0x29: {  	s4 =	sld [smem:$0x3FA4]  }
0x2a: {  	p0 =	seq.s32 s5, $0x0;
	s5 =	sld [smem:$0x3FA5]  }
0x2b: {  	s6 =	sld [smem:$0x3FA6]  }
0x2c: {  	s7 =	sld [smem:$0x3FA7]  }
0x2d: {  	s3 =	simm.s32 $0x108;
	s8 =	sld [smem:$0x3FA8]  }
0x2e: {  	s3 =	simm.s32 @!p0 $0x1082;
	s9 =	sld [smem:$0x3FA9]  }
0x2f: {  	lr =	sadd.s32 s0, s3;
	s0 =	sld [smem:$0x3FA0]  }
0x30: {  	s3 =	sld [smem:$0x3FA3]  }
0x31: {  	[smem:$0x3FAC] =	sst s10  }
0x32: {  	s10 =	sld [smem:$0x3FAA];
	_ =	sdelay $0x3  }
0x33: {  	p0 =	seq.s32 s10, $0x1;
	s10 =	sld [smem:$0x3FAC];
	_ =	sdelay $0x3  }
0x34: {  	[smem:$0x3FAC] =	sst s10  }
0x35: {  	s10 =	sld [smem:$0x3FAB];
	_ =	sdelay $0x3  }
0x36: {  	p1 =	seq.s32 s10, $0x1;
	s10 =	sld [smem:$0x3FAC];
	_ =	sdelay $0x3  }
0x37: {  	[smem:$0x3FAC] =	sst s10  }
0x38: {  	s10 =	sld [smem:$0x3FAD]  }
0x39: {  	_ = 	snop;
	(pc) =	sbr.ind lr, $3  }
0x3a: {  	_ = 	snop  }
0x3b: {  	_ = 	snop  }
0x3c: {  	p2 =	seq.s32 s10, $0x1;
	s10 =	sld [smem:$0x3FAC]  }
0x3d: {  	_ =	shalt  }
0x3e: {  	_ =	shalt  }
0x3f: {  	_ =	shalt  }
0x40: {  	_ =	shalt  }
0x41: {  	_ =	shalt  }
0x42: {  	_ =	shalt  }
0x43: {  	_ =	shalt  }
0x44: {  	_ =	shalt  }
0x45: {  	_ =	shalt  }
0x46: {  	_ =	shalt  }
0x47: {  	_ =	shalt  }
0x48: {  	_ =	shalt  }
0x49: {  	_ =	shalt  }
0x4a: {  	_ =	shalt  }
0x4b: {  	_ =	shalt  }
0x4c: {  	_ =	shalt  }
0x4d: {  	_ =	shalt  }
0x4e: {  	_ =	shalt  }
0x4f: {  	_ =	shalt  }
0x50: {  	_ =	shalt  }
0x51: {  	_ =	shalt  }
0x52: {  	_ =	shalt  }
0x53: {  	_ =	shalt  }
0x54: {  	_ =	shalt  }
0x55: {  	_ =	shalt  }
0x56: {  	_ =	shalt  }
0x57: {  	_ =	shalt  }
0x58: {  	_ =	shalt  }
0x59: {  	_ =	shalt  }
0x5a: {  	_ =	shalt  }
0x5b: {  	_ =	shalt  }
0x5c: {  	_ =	shalt  }
0x5d: {  	_ =	shalt  }
0x5e: {  	_ =	shalt  }
0x5f: {  	_ =	shalt  }
0x60: {  	_ =	shalt  }
0x61: {  	_ =	shalt  }
0x62: {  	_ =	shalt  }
0x63: {  	_ =	shalt  }
0x64: {  	_ =	shalt  }
0x65: {  	_ =	shalt  }
0x66: {  	_ =	shalt  }
0x67: {  	_ =	shalt  }
0x68: {  	_ =	shalt  }
0x69: {  	_ =	shalt  }
0x6a: {  	_ =	shalt  }
0x6b: {  	_ =	shalt  }
0x6c: {  	_ =	shalt  }
0x6d: {  	_ =	shalt  }
0x6e: {  	_ =	shalt  }
0x6f: {  	_ =	shalt  }
0x70: {  	_ =	shalt  }
0x71: {  	_ =	shalt  }
0x72: {  	_ =	shalt  }
0x73: {  	_ =	shalt  }
0x74: {  	_ =	shalt  }
0x75: {  	_ =	shalt  }
0x76: {  	_ =	shalt  }
0x77: {  	_ =	shalt  }
0x78: {  	_ =	shalt  }
0x79: {  	_ =	shalt  }
0x7a: {  	_ =	shalt  }
0x7b: {  	_ =	shalt  }
0x7c: {  	_ =	shalt  }
0x7d: {  	_ =	shalt  }
0x7e: {  	_ =	shalt  }
0x7f: {  	_ =	shalt  }
0x80: {  	_ =	shalt  }
0x81: {  	_ =	shalt  }
0x82: {  	_ =	shalt  }
0x83: {  	_ =	shalt  }
0x84: {  	_ =	shalt  }
0x85: {  	_ =	shalt  }
0x86: {  	_ =	shalt  }
0x87: {  	_ =	shalt  }
.Lfunc_end0:
.L_simem_size_0:
called_computation_lowered:
.L_overlay_start_0:
0x88: {  	s2 =	sld [smem:$0x3FD9]  }
0x89: {  	s3 =	sld [smem:$0x3FFE];
	_ =	sdelay $0x1  }
0x8a: {  	s1 =	srdreg.scid  }
0x8b: {  	s0 =	sand.u32 $0x1, s1  }
0x8c: {  	s16 =	sshll.u32 s0, $0xA;
	s2 =	sadd.s32 s3, s2  }
0x8d: {  	s2 =	sadd.s32 s2, s16  }
0x8e: {  	[smem:$0x3FB8] =	sst s2  }
0x8f: {  	_ = 	snop  }
0x90: {  	(tm) =	ssettm $0x1  }
0x91: {  	s17 =	sld [smem:$0x3FFB];
	_ =	sdelay $0x3  }
0x92: {  	_ =	strace s17  }
0x93: {  	s2 =	sld [smem:$0x3FFC];
	_ =	sdelay $0x3  }
0x94: {  	_ =	strace s2  }
0x95: {  	s2 =	sld [smem:$0x3FFD];
	_ =	sdelay $0x3  }
0x96: {  	_ =	strace s2  }
0x97: {  	_ =	strace $0x8FFFFFFF  }
0x98: {  	s18 =	sld [smem:$0x3FDB];
	_ =	sdelay $0x1  }
0x99: {  	s19 =	simm.s32 $_scs_section_size  }
0x9a: {  	s4 =	simm.s32 $_size__tile_overlayer_lowered;
	s5 =	simm.s32 $_tile_overlayer_lowered  }
0x9b: {  	s22 =	simm.s32 $0x1BFF;
	s21 =	sshll.u32 s5, $0x1;
	s2 =	sadd.s32 s19, s18  }
0x9c: {  	s6 =	simm.s32 $0x0;
	s20 =	sshll.u32 s4, $0x1;
	s4 =	sadd.s32 s21, s2  }
0x9d: {  	[timem:s6], [sflag:s22] =	dma.local [hbm:s4], s20  }
0x9e: {  	_ =	swait.ge [sflag:s22], s20  }
0x9f: {  	s3 =	ssub.s32 $0x0, s20;
	[sflag:s22] =	ssyncset.done $0x0  }
0xa0: {  	[sflag:s22] =	ssyncadd.s32 s3;
	_ =	sdelay $0x1  }
0xa1: {  	s23 =	simm.s32 $0x1B8B  }
0xa2: {  	_ =	swait.ge [sflag:s23], $0x1  }
0xa3: {  	[sflag:s23] =	ssyncset.done $0x0  }
0xa4: {  	s25 =	simm.s32 $0x1B8E;
	s24 =	sld [smem:$0x3FFE];
	[sflag:s23] =	ssyncadd.s32 $0xFFFFFFFF  }
0xa5: {  	s26 =	simm.s32 $execute0_lowered;
	[smem:$0x3FD2] =	sst s25  }
0xa6: {  	s4 =	sshll.u32 s26, $0x1;
	_ =	strace $0x80000046;
	[dreg:$0x1] =	wrdreg $0xFFFFFFFF  }
0xa7: {  	s28 =	simm.s32 $_size_execute0_lowered;
	s2 =	sadd.s32 s2, s4;
	[dreg:$0x0] =	wrdreg $0x0  }
0xa8: {  	s4 =	sshll.u32 s28, $0x1;
	[dreg:$0x2] =	wrdreg s2  }
0xa9: {  	[dreg:$0x3] =	wrdreg s4  }
0xaa: {  	[dreg:$0x4] =	wrdreg $0xC0  }
0xab: {  	_ =	task [dreg:s6], $0x5FFFF  }
0xac: {  	[dreg:$0x1] =	wrdreg $0xFFFFFFFF  }
0xad: {  	[dreg:$0x0] =	wrdreg $0x60  }
0xae: {  	[dreg:$0x2] =	wrdreg s24  }
0xaf: {  	[dreg:$0x3] =	wrdreg $0xA2C00  }
0xb0: {  	[dreg:$0x4] =	wrdreg $0x15E400  }
0xb1: {  	[dreg:$0x5] =	wrdreg $0x9  }
0xb2: {  	_ =	task.clear_ibuf [dreg:s6], $0x6FFFF;
	_ =	strace $0x90000046  }
0xb3: {  	s29 =	simm.s32 $0x9;
	_ =	strace $0x80000048  }
0xb4: {  	_ =	swait.ge [sflag:s29], $0x1  }
0xb5: {  	[sflag:s29] =	ssyncadd.s32 $0xFFFFFFFF  }
0xb6: {  	_ =	strace $0x90000048  }
0xb7: {  	_ =	sfence  }
0xb8: {  	s30 =	sld [smem:$0x0];
	_ =	sdelay $0x2  }
0xb9: {  	s31 =	sshll.u32 s1, $0xD;
	s1 =	sshrl.u32 s1, $0x2  }
0xba: {  	s3 =	sand.u32 $0x4000, s31;
	s1 =	sadd.s32 s1, s30  }
0xbb: {  	s0 =	sor.u32 s3, s0;
	s1 =	sshll.u32 s1, $0x11  }
0xbc: {  	s0 =	sor.u32 s1, s0  }
0xbd: {  	s0 =	sadd.s32 $0x8F2B, s0  }
0xbe: {  	[sflag:s0] =	ssyncadd.remote.s32 $0x1  }
0xbf: {  	_ =	sfence.sel $0xFFFF  }
0xc0: {  	[dreg:$0x0] =	wrdreg $0xFFFFFFFF;
	(pc) =	sbr.abs _section_cstart, $3  }
0xc1: {  	[dreg:$0x1] =	wrdreg $0xFFFFFFFF  }
0xc2: {  	_ =	task.clear_ibuf [dreg:s6], $0x2FFFF;
	_ =	strace $0x9FFFFFFF  }
0xc3: {  	(tm) =	ssettm $0x7FFFFFFF  }
tec
execute0_lowered:
.L_overlay_start_1:
0x0: {  	(tag) =	ssettag $0x1  }
0x1: {  	s0 =	rddreg [dreg:$0x0]  }
0x2: {  	s1 =	rddreg [dreg:$0x1]  }
0x3: {  	s3 =	rddreg [dreg:$0x2];
	s4 =	simm.s32 $0x0  }
0x4: {  	s10 =	stileid.u32;
	s5 =	srdreg.scid;
	s20 =	simm.s32 $0x9000  }
0x5: {  	s21 =	simm.s32 $0x5;
	s22 =	simm.s32 $0x2800;
	s28 =	simm.s32 $0x1  }
0x6: {  	s29 =	simm.s32 $0x2;
	s31 =	simm.s32 $0x3;
	s30 =	simm.s32 $0x0  }
0x7: {  	[smem:$0x7FF] =	sst s4;
	s2 =	smul.u32 $0x9C40, s10;
	s5 =	sand.u32 $0x1, s5  }
0x8: {  	s8 =	smul.u32 $0x17700, s10;
	_ =	strace $0x80000047;
	s7 =	sshll.u32 s5, $0x4  }
0x9: {  	s9 =	sshll.u32 s5, $0x6;
	s5 =	ssub.s32 $0x2, s5;
	s6 =	sshrl.u32 s2, $0x3  }
0xa: {  	s7 =	sor.u32 s10, s7;
	s8 =	sor.u32 s9, s8;
	s24 =	sshrl.u32 s5, $0x1  }
0xb: {  	s10 =	smul.u32 $0x2EE00, s10;
	s2 =	sadd.s32 s2, s3;
	s6 =	sadd.s32 s6, s0  }
0xc: {  	s7 =	smul.u32 $0x500, s7;
	s8 =	sshrl.u32 s8, $0x3;
	s5 =	ssub.s32 s5, s24  }
0xd: {  	s23 =	sshrl.u32 s2, $0x3;
	s24 =	simm.s32 $0x80;
	s2 =	simm.s32 $0x4  }
0xe: {  	s26 =	sshrl.u32 s10, $0x2;
	s6 =	sadd.s32 $0x2000, s6;
	s10 =	smax.u32 s5, $0x1  }
0xf: {  	s7 =	sadd.s32 s7, s0;
	s0 =	sadd.s32 s8, s0;
	[dreg:$0x6] =	wrdreg s6  }
0x10: {  	s8 =	sadd.s32 s26, s1;
	s26 =	simm.s32 $0x7000;
	s25 =	sadd.s32 $0x1FA00, s7  }
.Ltmp0:
0x11: {  	s7 =	sadd.s32 $0x15A00, s7;
	s9 =	sadd.s32 $0x29A00, s0;
	(pc) =	sbr.rel .LBB2_1-.Ltmp0, $4  }
0x12: {  	s11 =	sadd.s32 $0x12C0, s8;
	s12 =	sadd.s32 $0x2580, s8;
	s13 =	sadd.s32 $0x3840, s8  }
0x13: {  	s14 =	sadd.s32 $0x4B00, s8;
	s15 =	sadd.s32 $0x5DC0, s8;
	s16 =	sadd.s32 $0x7080, s8  }
0x14: {  	s17 =	sadd.s32 $0x8340, s8;
	s18 =	sadd.s32 $0x9600, s8;
	[dreg:$0x4] =	wrdreg s25  }
0x15: {  	v0 =	vimm.f32 $0.0e+00;
	s19 =	sadd.s32 $0xA8C0, s8;
	[dreg:$0x5] =	wrdreg s7;
	s25 =	simm.s32 $0x5000  }
.LBB2_6:
0x16: {  	_ =	swait.ge [sflag:s2], $0x2000  }
0x17: {  	s5 =	sshrl.u32 s8, $0x3;
	s30 =	sadd.s32 $0x1, s30;
	[sflag:s2] =	ssyncset.done $0x0  }
0x18: {  	s6 =	simm.s32 $0x10;
	p0 =	sne.s32 s30, s10;
	[sflag:s2] =	ssyncadd.s32 $0xFFFFE000  }
.Ltmp1:
0x19: {  	s7 =	simm.s32 $0x8;
	[bflag:$0x0] =	sbarrier.arrive $0xFFFF;
	(pc) =	sbr.rel @!p0 .LBB2_7-.Ltmp1, $4  }
0x1a: {  	[hbm:s9@s6], [sflag:s0] =	dma.strided [spmem:s5@s7], $0x1770, s28, $0x8   }
0x1b: {  	_ =	swait.ge [sflag:s21], $0x1770  }
0x1c: {  	[sflag:s21] =	ssyncset.done $0x0  }
0x1d: {  	[sflag:s21] =	ssyncadd.s32 $0xFFFFE890  }
.LBB2_1:
0x1e: {  	s5 =	simm.s32 $0x100;
	s0 =	simm.s32 $0x0  }
.LBB2_2:
0x1f: {  	p0 =	sne.s32 s5, $0x4A00;
	[tilespmem:s0+$0x9030] =	vst v0;
	s6 =	smov.u32 s5;
	s5 =	sadd.s32 $0x100, s5  }
.Ltmp2:
0x20: {  	[tilespmem:s0+$0x9020] =	vst v0;
	(pc) =	sbr.rel @p0 .LBB2_2-.Ltmp2, $3  }
0x21: {  	[tilespmem:s0+$0x9000] =	vst v0  }
0x22: {  	[tilespmem:s0+$0x9010] =	vst v0;
	_ =	sdelay $0x1  }
0x23: {  	s0 =	sshra.s32 s6, $0x2  }
0x24: {  	[tilespmem:s0+$0x9030] =	vst v0  }
0x25: {  	[tilespmem:s0+$0x9020] =	vst v0  }
0x26: {  	[tilespmem:s0+$0x9000] =	vst v0  }
0x27: {  	[tilespmem:s0+$0x9010] =	vst v0  }
0x28: {  	[spmem:s8] =	stream.linear.scatter [tilespmem:s20], [sflag:$0x5], $0x12C0, $0x38;
	[tilespmem:$0x1FA80] =	vst v63  }
0x29: {  	_ =	swait.ge [sflag:s21], $0x12C0  }
0x2a: {  	[sflag:s21] =	ssyncset.done $0x0  }
0x2b: {  	[sflag:s21] =	ssyncadd.s32 $0xFFFFED40  }
0x2c: {  	[spmem:s11] =	stream.linear.scatter [tilespmem:s20], [sflag:$0x5], $0x12C0, $0x38;
	[tilespmem:$0x1FA80] =	vst v63  }
0x2d: {  	_ =	swait.ge [sflag:s21], $0x12C0  }
0x2e: {  	[sflag:s21] =	ssyncset.done $0x0  }
0x2f: {  	[sflag:s21] =	ssyncadd.s32 $0xFFFFED40  }
0x30: {  	[spmem:s12] =	stream.linear.scatter [tilespmem:s20], [sflag:$0x5], $0x12C0, $0x38;
	[tilespmem:$0x1FA80] =	vst v63  }
0x31: {  	_ =	swait.ge [sflag:s21], $0x12C0  }
0x32: {  	[sflag:s21] =	ssyncset.done $0x0  }
0x33: {  	[sflag:s21] =	ssyncadd.s32 $0xFFFFED40  }
0x34: {  	[spmem:s13] =	stream.linear.scatter [tilespmem:s20], [sflag:$0x5], $0x12C0, $0x38;
	[tilespmem:$0x1FA80] =	vst v63  }
0x35: {  	_ =	swait.ge [sflag:s21], $0x12C0  }
0x36: {  	[sflag:s21] =	ssyncset.done $0x0  }
0x37: {  	[sflag:s21] =	ssyncadd.s32 $0xFFFFED40  }
0x38: {  	[spmem:s14] =	stream.linear.scatter [tilespmem:s20], [sflag:$0x5], $0x12C0, $0x38;
	[tilespmem:$0x1FA80] =	vst v63  }
0x39: {  	_ =	swait.ge [sflag:s21], $0x12C0  }
0x3a: {  	[sflag:s21] =	ssyncset.done $0x0  }
0x3b: {  	[sflag:s21] =	ssyncadd.s32 $0xFFFFED40  }
0x3c: {  	[spmem:s15] =	stream.linear.scatter [tilespmem:s20], [sflag:$0x5], $0x12C0, $0x38;
	[tilespmem:$0x1FA80] =	vst v63  }
0x3d: {  	_ =	swait.ge [sflag:s21], $0x12C0  }
0x3e: {  	[sflag:s21] =	ssyncset.done $0x0  }
0x3f: {  	[sflag:s21] =	ssyncadd.s32 $0xFFFFED40  }
0x40: {  	[spmem:s16] =	stream.linear.scatter [tilespmem:s20], [sflag:$0x5], $0x12C0, $0x38;
	[tilespmem:$0x1FA80] =	vst v63  }
0x41: {  	_ =	swait.ge [sflag:s21], $0x12C0  }
0x42: {  	[sflag:s21] =	ssyncset.done $0x0  }
0x43: {  	[sflag:s21] =	ssyncadd.s32 $0xFFFFED40  }
0x44: {  	[spmem:s17] =	stream.linear.scatter [tilespmem:s20], [sflag:$0x5], $0x12C0, $0x38;
	[tilespmem:$0x1FA80] =	vst v63  }
0x45: {  	_ =	swait.ge [sflag:s21], $0x12C0  }
0x46: {  	[sflag:s21] =	ssyncset.done $0x0  }
0x47: {  	[sflag:s21] =	ssyncadd.s32 $0xFFFFED40  }
0x48: {  	[spmem:s18] =	stream.linear.scatter [tilespmem:s20], [sflag:$0x5], $0x12C0, $0x38;
	[tilespmem:$0x1FA80] =	vst v63  }
0x49: {  	_ =	swait.ge [sflag:s21], $0x12C0  }
0x4a: {  	[sflag:s21] =	ssyncset.done $0x0  }
0x4b: {  	[sflag:s21] =	ssyncadd.s32 $0xFFFFED40  }
0x4c: {  	[spmem:s19] =	stream.linear.scatter [tilespmem:s20], [sflag:$0x5], $0x12C0, $0x38;
	[tilespmem:$0x1FA80] =	vst v63  }
0x4d: {  	_ =	swait.ge [sflag:s21], $0x12C0  }
0x4e: {  	[sflag:s21] =	ssyncset.done $0x0  }
0x4f: {  	s6 =	rddreg [dreg:$0x4];
	[sflag:s21] =	ssyncadd.s32 $0xFFFFED40  }
0x50: {  	[tilespmem:s4], [sflag:$0x5] =	stream.linear.gather [hbm4b:s6+s4], $0x2800, $0x38;
	[tilespmem:$0x1FA80] =	vst v63  }
0x51: {  	_ =	swait.ge [sflag:s21], $0x2800  }
0x52: {  	[sflag:s21] =	ssyncset.done $0x0  }
0x53: {  	s7 =	rddreg [dreg:$0x5];
	[sflag:s21] =	ssyncadd.s32 $0xFFFFD800  }
0x54: {  	[tilespmem:s22], [sflag:$0x5] =	stream.linear.gather [hbm4b:s7+s4], $0x2800, $0x38;
	[tilespmem:$0x1FA80] =	vst v63  }
0x55: {  	s5 =	stileid.u32;
	_ =	swait.ge [sflag:s21], $0x2800  }
0x56: {  	s0 =	sshll.u32 s5, $0x6;
	[sflag:s21] =	ssyncset.done $0x0  }
0x57: {  	s0 =	sor.u32 $0x1C05, s0;
	s5 =	rddreg [dreg:$0x6];
	[sflag:s21] =	ssyncadd.s32 $0xFFFFD800  }
0x58: {  	[spmem:s23], [sflag:s0] =	dma.local [hbm:s5], $0x1388  }
0x59: {  	_ =	swait.ge [sflag:s21], $0x1388  }
0x5a: {  	[sflag:s21] =	ssyncset.done $0x0  }
0x5b: {  	[sflag:s21] =	ssyncadd.s32 $0xFFFFEC78  }
0x5c: {  	[bflag:$0x0] =	sbarrier.arrive $0xFFFF  }
0x5d: {  	[tilespmem:s25], [sflag:$0x1] =	stream.indirect.gather [spmem:s3], $0x40, s4, s24, $0xb8;
	[tilespmem:$0x1FA80] =	vst v63  }
0x5e: {  	_ = 	snop  }
0x5f: {  	[tilespmem:s26], [sflag:$0x2] =	stream.indirect.gather [spmem:s3], $0x40, s24, s24, $0xb8;
	[tilespmem:$0x1FA80] =	vst v63  }
0x60: {  	_ =	swait.ge [sflag:s28], $0x2000  }
0x61: {  	[sflag:s28] =	ssyncset.done $0x0  }
0x62: {  	[sflag:s28] =	ssyncadd.s32 $0xFFFFE000  }
0x63: {  	[spmem:s1] =	stream.indirect.scatter.add.f32 [tilespmem:s25], [sflag:$0x3], $0x40, s22, s24, $0xb8;
	[tilespmem:$0x1FA80] =	vst v63  }
0x64: {  	_ =	swait.ge [sflag:s29], $0x2000  }
0x65: {  	[sflag:s29] =	ssyncset.done $0x0  }
0x66: {  	s6 =	simm.s32 $0x2880;
	[sflag:s29] =	ssyncadd.s32 $0xFFFFE000  }
0x67: {  	[spmem:s1] =	stream.indirect.scatter.add.f32 [tilespmem:s26], [sflag:$0x4], $0x40, s6, s24, $0xb8;
	[tilespmem:$0x1FA80] =	vst v63  }
0x68: {  	_ =	swait.ge [sflag:s31], $0x2000  }
0x69: {  	[sflag:s31] =	ssyncset.done $0x0  }
0x6a: {  	s7 =	simm.s32 $0x100;
	s5 =	simm.s32 $0xFFFF6800;
	[sflag:s31] =	ssyncadd.s32 $0xFFFFE000  }
0x6b: {  	[tilespmem:s25], [sflag:$0x1] =	stream.indirect.gather [spmem:s3], $0x40, s7, s24, $0xb8;
	[tilespmem:$0x1FA80] =	vst v63  }
.LBB2_4:
0x6c: {  	_ =	swait.ge [sflag:s28], $0x2000  }
0x6d: {  	s6 =	sshra.s32 s5, $0x2;
	[sflag:s28] =	ssyncset.done $0x0  }
0x6e: {  	s7 =	sadd.s32 $0x4F00, s6;
	[sflag:s28] =	ssyncadd.s32 $0xFFFFE000  }
0x6f: {  	[spmem:s1] =	stream.indirect.scatter.add.f32 [tilespmem:s25], [sflag:$0x3], $0x40, s7, s24, $0xb8;
	[tilespmem:$0x1FA80] =	vst v63  }
0x70: {  	_ =	swait.ge [sflag:s2], $0x2000  }
0x71: {  	[sflag:s2] =	ssyncset.done $0x0  }
0x72: {  	s7 =	sadd.s32 $0x2780, s6;
	[sflag:s2] =	ssyncadd.s32 $0xFFFFE000  }
0x73: {  	[tilespmem:s26], [sflag:$0x2] =	stream.indirect.gather [spmem:s3], $0x40, s7, s24, $0xb8;
	[tilespmem:$0x1FA80] =	vst v63  }
0x74: {  	_ =	swait.ge [sflag:s29], $0x2000  }
0x75: {  	p0 =	seq.s32 s5, $0x0;
	[sflag:s29] =	ssyncset.done $0x0  }
.Ltmp3:
0x76: {  	s7 =	sadd.s32 $0x4F80, s6;
	[sflag:s29] =	ssyncadd.s32 $0xFFFFE000;
	(pc) =	sbr.rel @p0 .LBB2_6-.Ltmp3, $4  }
0x77: {  	[spmem:s1] =	stream.indirect.scatter.add.f32 [tilespmem:s26], [sflag:$0x4], $0x40, s7, s24, $0xb8;
	[tilespmem:$0x1FA80] =	vst v63  }
0x78: {  	_ =	swait.ge [sflag:s31], $0x2000  }
0x79: {  	[sflag:s31] =	ssyncset.done $0x0  }
0x7a: {  	[sflag:s31] =	ssyncadd.s32 $0xFFFFE000  }
.Ltmp4:
0x7b: {  	(pc) =	sbr.rel .LBB2_4-.Ltmp4, $3  }
0x7c: {  	_ =	sdelay $0x1  }
0x7d: {  	s6 =	sadd.s32 $0x2800, s6;
	s5 =	sadd.s32 $0x400, s5  }
0x7e: {  	[tilespmem:s25], [sflag:$0x1] =	stream.indirect.gather [spmem:s3], $0x40, s6, s24, $0xb8;
	[tilespmem:$0x1FA80] =	vst v63  }
.LBB2_7:
0x7f: {  	_ =	sfence.sel $0x180000  }
0x80: {  	[bflag:$0x0] =	sbarrier.arrive $0xFFFF  }
0x81: {  	_ =	strace $0x90000047  }
0x82: {  	s0 =	stileid.u32;
	[bflag:$0x2] =	sbarrier.arrive $0xFFFF  }
0x83: {  	p0 =	sne.s32 s0, $0x0;
	s0 =	rddreg [dreg:$0x3]  }
0x84: {  	s0 =	sadd.s32 @!p0 $0x100000, s0  }
0x85: {  	[sflag:s0] =	ssyncadd.tile.s32 @!p0 $0x1;
	_ =	shalt  }
.Lfunc_end2:
_tile_overlayer_lowered:
.L_overlay_start_2:
0x86: {  	(tag) =	ssettag $0x2  }
0x87: {  	s0 =	rddreg [dreg:$0x0];
	s2 =	stileid.u32  }
0x88: {  	s1 =	rddreg [dreg:$0x1];
	p0 =	sne.s32 s2, $0x0  }
0x89: {  	s3 =	rddreg [dreg:$0x2];
	[bflag:$0x3] =	sbarrier.arrive $0xFFFF;
	s2 =	simm.s32 @!p0 $0x1C05  }
0x8a: {  	[timem:s3], [sflag:s2] =	dma.local @!p0 [hbm:s0], s1  }
0x8b: {  	s0 =	simm.s32 @!p0 $0x5  }
0x8c: {  	_ =	swait.ge @!p0 [sflag:s0], s1  }
0x8d: {  	s1 =	ssub.s32 @!p0 $0x0, s1;
	[sflag:s0] =	ssyncset.done @!p0 $0x0  }
0x8e: {  	[sflag:s0] =	ssyncadd.s32 @!p0 s1  }
0x8f: {  	[bflag:$0x3] =	sbarrier.arrive $0xFFFF  }
0x90: {  	_ =	shalt  }

</sc_bundles>
